<compile_context>
chip_gen: v7x
topology: tpu7x:2x2x1
jax: 0.10.2.dev20260603
libtpu: 0.0.44.dev20260713+nightly
codegen_flags: <defaults>
</compile_context>

<pallas_src>
import jax
import jax.numpy as jnp
from jax import lax
from jax.experimental import pallas as pl
from jax.experimental.pallas import tpu as pltpu
from jax.experimental.pallas import tpu_sc as plsc

B, L, C = 32, 2048, 128
ROWS = B * L
NC, NS, LANES = 2, 16, 16
NW = NC * NS
NJ = C // LANES

SC_ROWS = 16384
HEAD = ROWS - SC_ROWS
SC_PER_W = SC_ROWS // NW
CH = 128
NCHUNK = SC_PER_W // CH

RT = 8192
GA = HEAD // RT
GT = ROWS // RT

_mesh = plsc.VectorSubcoreMesh(core_axis_name="c", subcore_axis_name="s")

_f32 = jnp.float32
_i32 = jnp.int32
_zf = lambda: jnp.zeros((LANES,), _f32)
_zi = lambda: jnp.zeros((LANES,), _i32)



def _sca_body(x_hbm, m_hbm, psum_hbm, pcnt_hbm,
              xb0, xb1, mb0, mb1, rowbuf, sx0, sx1, sm0, sm1):
    wid = lax.axis_index("c") * NS + lax.axis_index("s")
    base = HEAD + wid * SC_PER_W
    xbufs, mbufs = (xb0, xb1), (mb0, mb1)
    sxs, sms = (sx0, sx1), (sm0, sm1)

    def issue(ch):
        start = base + ch * CH
        b = ch % 2
        cx = pltpu.async_copy(x_hbm.at[pl.ds(start, CH)], xbufs[b], sxs[b])
        cm = pltpu.async_copy(m_hbm.at[pl.ds(start, CH)], mbufs[b], sms[b])
        return cx, cm

    pend = {0: issue(0)}
    acc = (_zf(),) * NJ + (_zi(),) * NJ
    for ch in range(NCHUNK):
        if ch + 1 < NCHUNK:
            pend[ch + 1] = issue(ch + 1)
        cx, cm = pend.pop(ch)
        cx.wait()
        cm.wait()
        xbuf, mbuf = xbufs[ch % 2], mbufs[ch % 2]

        def row(r, c):
            new = list(c)
            for j in range(NJ):
                v = xbuf[r, pl.ds(LANES * j, LANES)]
                m = mbuf[r, pl.ds(LANES * j, LANES)]
                new[j] = c[j] + v * m.astype(_f32)
                new[NJ + j] = c[NJ + j] + m
            return tuple(new)

        acc = lax.fori_loop(0, CH, row, acc)

    for j in range(NJ):
        rowbuf[pl.ds(LANES * j, LANES)] = acc[j]
    pltpu.sync_copy(rowbuf, psum_hbm.at[wid])
    for j in range(NJ):
        rowbuf[pl.ds(LANES * j, LANES)] = acc[NJ + j].astype(_f32)
    pltpu.sync_copy(rowbuf, pcnt_hbm.at[wid])


_sca = pl.kernel(
    _sca_body,
    out_type=(
        jax.ShapeDtypeStruct((NW, C), _f32),
        jax.ShapeDtypeStruct((NW, C), _f32),
    ),
    mesh=_mesh,
    scratch_types=[
        pltpu.VMEM((CH, C), _f32),
        pltpu.VMEM((CH, C), _f32),
        pltpu.VMEM((CH, C), _i32),
        pltpu.VMEM((CH, C), _i32),
        pltpu.VMEM((C,), _f32),
        pltpu.SemaphoreType.DMA,
        pltpu.SemaphoreType.DMA,
        pltpu.SemaphoreType.DMA,
        pltpu.SemaphoreType.DMA,
    ],
)



def _tca_body(x_ref, m_ref, ps_ref, pc_ref, m8_ref):
    i = pl.program_id(0)

    @pl.when(i == 0)
    def _():
        ps_ref[...] = jnp.zeros_like(ps_ref)
        pc_ref[...] = jnp.zeros_like(pc_ref)

    m = m_ref[...]
    m8_ref[...] = m.astype(jnp.int8)
    mf = m.astype(_f32)
    xm = x_ref[...] * mf
    ps_ref[...] += xm.reshape(RT // 8, 8, C).sum(axis=0)
    pc_ref[...] += mf.reshape(RT // 8, 8, C).sum(axis=0)


_tca = pl.pallas_call(
    _tca_body,
    grid=(GA,),
    in_specs=[
        pl.BlockSpec((RT, C), lambda i: (i, 0)),
        pl.BlockSpec((RT, C), lambda i: (i, 0)),
    ],
    out_specs=[
        pl.BlockSpec((8, C), lambda i: (0, 0)),
        pl.BlockSpec((8, C), lambda i: (0, 0)),
        pl.BlockSpec((RT, C), lambda i: (i, 0)),
    ],
    out_shape=[
        jax.ShapeDtypeStruct((8, C), _f32),
        jax.ShapeDtypeStruct((8, C), _f32),
        jax.ShapeDtypeStruct((HEAD, C), jnp.int8),
    ],
)



def _tcb_body(x_ref, m8_ref, m32_ref, ps_sc, pc_sc, ps_tc, pc_tc,
              o1_ref, o2_ref):
    i = pl.program_id(0)
    s = ps_sc[...].sum(axis=0) + ps_tc[...].sum(axis=0)
    n = pc_sc[...].sum(axis=0) + pc_tc[...].sum(axis=0)
    mean = jnp.where(n > 0, s / jnp.maximum(n, 1.0), 0.0)
    @pl.when(i < GA)
    def _():
        out = jnp.where(m8_ref[...] != 0, x_ref[...], mean[None, :])
        o1_ref[...] = out
        o2_ref[...] = out

    @pl.when(i >= GA)
    def _():
        out = jnp.where(m32_ref[...] != 0, x_ref[...], mean[None, :])
        o1_ref[...] = out
        o2_ref[...] = out


_tcb = pl.pallas_call(
    _tcb_body,
    grid=(GT,),
    in_specs=[
        pl.BlockSpec((RT, C), lambda i: (i, 0)),
        pl.BlockSpec((RT, C), lambda i: (jnp.minimum(i, GA - 1), 0)),
        pl.BlockSpec((RT, C), lambda i: (jnp.maximum(i, GA), 0)),
        pl.BlockSpec((NW, C), lambda i: (0, 0)),
        pl.BlockSpec((NW, C), lambda i: (0, 0)),
        pl.BlockSpec((8, C), lambda i: (0, 0)),
        pl.BlockSpec((8, C), lambda i: (0, 0)),
    ],
    out_specs=[
        pl.BlockSpec((RT, C), lambda i: (i, 0)),
        pl.BlockSpec((RT, C), lambda i: (i, 0)),
    ],
    out_shape=[
        jax.ShapeDtypeStruct((ROWS, C), _f32),
        jax.ShapeDtypeStruct((ROWS, C), _f32),
    ],
)


def kernel(x_enc, x_mark_enc, mask):
    x2 = x_enc.reshape(ROWS, C)
    m2 = mask.reshape(ROWS, C)
    ps_sc, pc_sc = _sca(x2, m2)
    ps_tc, pc_tc, m8 = _tca(x2, m2)
    out1, out2 = _tcb(x2, m8, m2, ps_sc, pc_sc, ps_tc, pc_tc)
    return (out1.reshape(B, L, C), out2.reshape(B, L, C))

# --- scband reference (transcript-rebuilt; emitter-appended) ---
"""Pipeline reference for scband-model-71502615543902 (READ-ONLY COPY).

The authoritative reference and input builder live on the scoring server;
editing this copy changes nothing except your own understanding.
"""

import jax, jax.numpy as jnp
import numpy as np

B, L, C = 32, 2048, 128

def setup_inputs(seed: int = 0) -> dict:
    key = jax.random.key(seed)
    k1, k2, k3 = jax.random.split(key, 3)
    x_enc = jax.random.normal(k1, (B, L, C), dtype=jnp.float32)
    x_mark_enc = jax.random.normal(k2, (B, L, 4), dtype=jnp.float32)
    mask = jax.random.randint(k3, (B, L, C), 0, 2).astype(jnp.int32)
    return {"x_enc": x_enc, "x_mark_enc": x_mark_enc, "mask": mask}

def reference(x_enc, x_mark_enc, mask):
    # _compute_means: with mask provided, observed values are where mask != 0
    # (x_enc has no NaNs, so valid == (mask != 0)). Per-feature mean over all
    # batches/timesteps of observed entries; 0.0 if a feature has none observed.
    valid = (mask != 0)
    vf = valid.astype(x_enc.dtype)
    cnt = jnp.sum(vf, axis=(0, 1))                       # [C]
    s = jnp.sum(x_enc * vf, axis=(0, 1))                 # [C]
    feature_means = jnp.where(cnt > 0, s / jnp.maximum(cnt, 1.0), 0.0)  # [C]
    # global mean (computed in torch code for the buffer; unused by 'feature' strategy)
    total_cnt = jnp.sum(cnt)
    global_mean = jnp.where(total_cnt > 0, jnp.sum(s) / jnp.maximum(total_cnt, 1.0), 0.0)
    _ = global_mean
    # _feature_mean_imputation: masked scatter of per-feature mean into missing slots
    imputed = jnp.where(valid, x_enc, feature_means[None, None, :])
    # strategy == 'feature', output_attention == False -> return (imputed, imputed)
    return (imputed, imputed)

if __name__ == "__main__":
    import jax
    _d = setup_inputs()
    print(jax.jit(kernel)(*tuple(_d.values())))

</pallas_src>

<mosaic_0001>
#map = affine_map<(d0, d1) -> (0, 0)>
module attributes {stable_mosaic.version = 14 : i64} {
  func.func @_sca_body(%arg0: i32, %arg1: i32, %arg2: memref<65536x128xf32, #tpu.memory_space<hbm>>, %arg3: memref<65536x128xi32, #tpu.memory_space<hbm>>, %arg4: memref<32x128xf32, #tpu.memory_space<hbm>>, %arg5: memref<32x128xf32, #tpu.memory_space<hbm>>, %arg6: memref<128x128xf32, #tpu.memory_space<vmem>>, %arg7: memref<128x128xf32, #tpu.memory_space<vmem>>, %arg8: memref<128x128xi32, #tpu.memory_space<vmem>>, %arg9: memref<128x128xi32, #tpu.memory_space<vmem>>, %arg10: memref<128xf32, #tpu.memory_space<vmem>>, %arg11: memref<!tpu.dma_semaphore, #tpu.memory_space<semaphore_mem>>, %arg12: memref<!tpu.dma_semaphore, #tpu.memory_space<semaphore_mem>>, %arg13: memref<!tpu.dma_semaphore, #tpu.memory_space<semaphore_mem>>, %arg14: memref<!tpu.dma_semaphore, #tpu.memory_space<semaphore_mem>>) attributes {dimension_semantics = [#tpu.dimension_semantics<core_parallel>, #tpu.dimension_semantics<subcore_parallel>], iteration_bounds = array<i64: 2, 16>, scalar_prefetch = 0 : i64, scratch_operands = 9 : i64, tpu.core_type = #tpu.core_type<sc_vector_subcore>, window_params = [{transform_indices = #map}, {transform_indices = #map}, {transform_indices = #map}, {transform_indices = #map}]} {
    %mul3A = arith.constant 16 : i32
    %mul3A_0 = arith.muli %arg0, %mul3A : i32
    %add3A = arith.addi %mul3A_0, %arg1 : i32
    %mul3A_1 = arith.constant 512 : i32
    %mul3A_2 = arith.muli %add3A, %mul3A_1 : i32
    %add3A_3 = arith.constant 49152 : i32
    %add3A_4 = arith.addi %add3A_3, %mul3A_2 : i32
    %add3A_5 = arith.constant 0 : i32
    %add3A_6 = arith.addi %add3A_4, %add3A_5 : i32
    %dma_start3A = arith.constant 0 : i32
    %dma_start3A_7 = tpu.memref_slice %arg2[%add3A_6, %dma_start3A] : memref<65536x128xf32, #tpu.memory_space<hbm>> -> memref<128x128xf32, #tpu.memory_space<hbm>>
    %dma_start3A_8 = arith.constant 0 : i32
    %dma_start3A_9 = tpu.memref_slice %arg2[%add3A_6, %dma_start3A_8] : memref<65536x128xf32, #tpu.memory_space<hbm>> -> memref<128x128xf32, #tpu.memory_space<hbm>>
    tpu.enqueue_dma source(%dma_start3A_9 : memref<128x128xf32, #tpu.memory_space<hbm>>) target(%arg6 : memref<128x128xf32, #tpu.memory_space<vmem>>) target_semaphore(%arg11 : memref<!tpu.dma_semaphore, #tpu.memory_space<semaphore_mem>>)
    %dma_start3A_10 = arith.constant 0 : i32
    %dma_start3A_11 = tpu.memref_slice %arg3[%add3A_6, %dma_start3A_10] : memref<65536x128xi32, #tpu.memory_space<hbm>> -> memref<128x128xi32, #tpu.memory_space<hbm>>
    %dma_start3A_12 = arith.constant 0 : i32
    %dma_start3A_13 = tpu.memref_slice %arg3[%add3A_6, %dma_start3A_12] : memref<65536x128xi32, #tpu.memory_space<hbm>> -> memref<128x128xi32, #tpu.memory_space<hbm>>
    tpu.enqueue_dma source(%dma_start3A_13 : memref<128x128xi32, #tpu.memory_space<hbm>>) target(%arg8 : memref<128x128xi32, #tpu.memory_space<vmem>>) target_semaphore(%arg13 : memref<!tpu.dma_semaphore, #tpu.memory_space<semaphore_mem>>)
    %broadcast_in_dim3A = arith.constant 0.000000e+00 : f32
    %broadcast_in_dim3A_14 = vector.broadcast %broadcast_in_dim3A : f32 to vector<16xf32>
    %broadcast_in_dim3A_15 = arith.constant 0 : i32
    %broadcast_in_dim3A_16 = vector.broadcast %broadcast_in_dim3A_15 : i32 to vector<16xi32>
    %add3A_17 = arith.constant 128 : i32
    %add3A_18 = arith.addi %add3A_4, %add3A_17 : i32
    %dma_start3A_19 = arith.constant 0 : i32
    %dma_start3A_20 = tpu.memref_slice %arg2[%add3A_18, %dma_start3A_19] : memref<65536x128xf32, #tpu.memory_space<hbm>> -> memref<128x128xf32, #tpu.memory_space<hbm>>
    %dma_start3A_21 = arith.constant 0 : i32
    %dma_start3A_22 = tpu.memref_slice %arg2[%add3A_18, %dma_start3A_21] : memref<65536x128xf32, #tpu.memory_space<hbm>> -> memref<128x128xf32, #tpu.memory_space<hbm>>
    tpu.enqueue_dma source(%dma_start3A_22 : memref<128x128xf32, #tpu.memory_space<hbm>>) target(%arg7 : memref<128x128xf32, #tpu.memory_space<vmem>>) target_semaphore(%arg12 : memref<!tpu.dma_semaphore, #tpu.memory_space<semaphore_mem>>)
    %dma_start3A_23 = arith.constant 0 : i32
    %dma_start3A_24 = tpu.memref_slice %arg3[%add3A_18, %dma_start3A_23] : memref<65536x128xi32, #tpu.memory_space<hbm>> -> memref<128x128xi32, #tpu.memory_space<hbm>>
    %dma_start3A_25 = arith.constant 0 : i32
    %dma_start3A_26 = tpu.memref_slice %arg3[%add3A_18, %dma_start3A_25] : memref<65536x128xi32, #tpu.memory_space<hbm>> -> memref<128x128xi32, #tpu.memory_space<hbm>>
    tpu.enqueue_dma source(%dma_start3A_26 : memref<128x128xi32, #tpu.memory_space<hbm>>) target(%arg9 : memref<128x128xi32, #tpu.memory_space<vmem>>) target_semaphore(%arg14 : memref<!tpu.dma_semaphore, #tpu.memory_space<semaphore_mem>>)
    %dma_wait3A = arith.constant 0 : i32
    %dma_wait3A_27 = tpu.memref_slice %arg2[%add3A_6, %dma_wait3A] : memref<65536x128xf32, #tpu.memory_space<hbm>> -> memref<128x128xf32, #tpu.memory_space<hbm>>
    %dma_wait3A_28 = arith.constant 0 : i32
    %dma_wait3A_29 = tpu.memref_slice %arg2[%add3A_6, %dma_wait3A_28] : memref<65536x128xf32, #tpu.memory_space<hbm>> -> memref<128x128xf32, #tpu.memory_space<hbm>>
    tpu.wait_dma2 semaphore(%arg11 : memref<!tpu.dma_semaphore, #tpu.memory_space<semaphore_mem>>) src(%dma_wait3A_29 : memref<128x128xf32, #tpu.memory_space<hbm>>) dst(%arg6 : memref<128x128xf32, #tpu.memory_space<vmem>>)
    %dma_wait3A_30 = arith.constant 0 : i32
    %dma_wait3A_31 = tpu.memref_slice %arg3[%add3A_6, %dma_wait3A_30] : memref<65536x128xi32, #tpu.memory_space<hbm>> -> memref<128x128xi32, #tpu.memory_space<hbm>>
    %dma_wait3A_32 = arith.constant 0 : i32
    %dma_wait3A_33 = tpu.memref_slice %arg3[%add3A_6, %dma_wait3A_32] : memref<65536x128xi32, #tpu.memory_space<hbm>> -> memref<128x128xi32, #tpu.memory_space<hbm>>
    tpu.wait_dma2 semaphore(%arg13 : memref<!tpu.dma_semaphore, #tpu.memory_space<semaphore_mem>>) src(%dma_wait3A_33 : memref<128x128xi32, #tpu.memory_space<hbm>>) dst(%arg8 : memref<128x128xi32, #tpu.memory_space<vmem>>)
    %scan3A = arith.constant 0 : i32
    %scan3A_34 = arith.constant 128 : i32
    %scan3A_35 = arith.addi %scan3A, %scan3A_34 : i32
    %scan3A_36 = arith.constant 1 : i32
    %scan3A_37:16 = scf.for %scan3A_171 = %scan3A to %scan3A_35 step %scan3A_36 iter_args(%scan3A_172 = %broadcast_in_dim3A_14, %scan3A_173 = %broadcast_in_dim3A_14, %scan3A_174 = %broadcast_in_dim3A_14, %scan3A_175 = %broadcast_in_dim3A_14, %scan3A_176 = %broadcast_in_dim3A_14, %scan3A_177 = %broadcast_in_dim3A_14, %scan3A_178 = %broadcast_in_dim3A_14, %scan3A_179 = %broadcast_in_dim3A_14, %scan3A_180 = %broadcast_in_dim3A_16, %scan3A_181 = %broadcast_in_dim3A_16, %scan3A_182 = %broadcast_in_dim3A_16, %scan3A_183 = %broadcast_in_dim3A_16, %scan3A_184 = %broadcast_in_dim3A_16, %scan3A_185 = %broadcast_in_dim3A_16, %scan3A_186 = %broadcast_in_dim3A_16, %scan3A_187 = %broadcast_in_dim3A_16) -> (vector<16xf32>, vector<16xf32>, vector<16xf32>, vector<16xf32>, vector<16xf32>, vector<16xf32>, vector<16xf32>, vector<16xf32>, vector<16xi32>, vector<16xi32>, vector<16xi32>, vector<16xi32>, vector<16xi32>, vector<16xi32>, vector<16xi32>, vector<16xi32>)  : i32 {
      %get3A = arith.index_cast %scan3A_171 : i32 to index
      %get3A_188 = arith.constant 0 : index
      %get3A_189 = tpu.vector_load %arg6[%get3A, %get3A_188] {strides = array<i32>} : memref<128x128xf32, #tpu.memory_space<vmem>>, vector<1x16xf32>,
      %get3A_190 = vector.shape_cast %get3A_189 : vector<1x16xf32> to vector<16xf32>
      %get3A_191 = arith.index_cast %scan3A_171 : i32 to index
      %get3A_192 = arith.constant 0 : index
      %get3A_193 = tpu.vector_load %arg8[%get3A_191, %get3A_192] {strides = array<i32>} : memref<128x128xi32, #tpu.memory_space<vmem>>, vector<1x16xi32>,
      %get3A_194 = vector.shape_cast %get3A_193 : vector<1x16xi32> to vector<16xi32>
      %convert_element_type3A_195 = arith.sitofp %get3A_194 : vector<16xi32> to vector<16xf32>
      %mul3A_196 = arith.mulf %get3A_190, %convert_element_type3A_195 : vector<16xf32>
      %add3A_197 = arith.addf %scan3A_172, %mul3A_196 : vector<16xf32>
      %add3A_198 = arith.addi %scan3A_180, %get3A_194 : vector<16xi32>
      %get3A_199 = arith.index_cast %scan3A_171 : i32 to index
      %get3A_200 = arith.constant 16 : index
      %get3A_201 = tpu.vector_load %arg6[%get3A_199, %get3A_200] {strides = array<i32>} : memref<128x128xf32, #tpu.memory_space<vmem>>, vector<1x16xf32>,
      %get3A_202 = vector.shape_cast %get3A_201 : vector<1x16xf32> to vector<16xf32>
      %get3A_203 = arith.index_cast %scan3A_171 : i32 to index
      %get3A_204 = arith.constant 16 : index
      %get3A_205 = tpu.vector_load %arg8[%get3A_203, %get3A_204] {strides = array<i32>} : memref<128x128xi32, #tpu.memory_space<vmem>>, vector<1x16xi32>,
      %get3A_206 = vector.shape_cast %get3A_205 : vector<1x16xi32> to vector<16xi32>
      %convert_element_type3A_207 = arith.sitofp %get3A_206 : vector<16xi32> to vector<16xf32>
      %mul3A_208 = arith.mulf %get3A_202, %convert_element_type3A_207 : vector<16xf32>
      %add3A_209 = arith.addf %scan3A_173, %mul3A_208 : vector<16xf32>
      %add3A_210 = arith.addi %scan3A_181, %get3A_206 : vector<16xi32>
      %get3A_211 = arith.index_cast %scan3A_171 : i32 to index
      %get3A_212 = arith.constant 32 : index
      %get3A_213 = tpu.vector_load %arg6[%get3A_211, %get3A_212] {strides = array<i32>} : memref<128x128xf32, #tpu.memory_space<vmem>>, vector<1x16xf32>,
      %get3A_214 = vector.shape_cast %get3A_213 : vector<1x16xf32> to vector<16xf32>
      %get3A_215 = arith.index_cast %scan3A_171 : i32 to index
      %get3A_216 = arith.constant 32 : index
      %get3A_217 = tpu.vector_load %arg8[%get3A_215, %get3A_216] {strides = array<i32>} : memref<128x128xi32, #tpu.memory_space<vmem>>, vector<1x16xi32>,
      %get3A_218 = vector.shape_cast %get3A_217 : vector<1x16xi32> to vector<16xi32>
      %convert_element_type3A_219 = arith.sitofp %get3A_218 : vector<16xi32> to vector<16xf32>
      %mul3A_220 = arith.mulf %get3A_214, %convert_element_type3A_219 : vector<16xf32>
      %add3A_221 = arith.addf %scan3A_174, %mul3A_220 : vector<16xf32>
      %add3A_222 = arith.addi %scan3A_182, %get3A_218 : vector<16xi32>
      %get3A_223 = arith.index_cast %scan3A_171 : i32 to index
      %get3A_224 = arith.constant 48 : index
      %get3A_225 = tpu.vector_load %arg6[%get3A_223, %get3A_224] {strides = array<i32>} : memref<128x128xf32, #tpu.memory_space<vmem>>, vector<1x16xf32>,
      %get3A_226 = vector.shape_cast %get3A_225 : vector<1x16xf32> to vector<16xf32>
      %get3A_227 = arith.index_cast %scan3A_171 : i32 to index
      %get3A_228 = arith.constant 48 : index
      %get3A_229 = tpu.vector_load %arg8[%get3A_227, %get3A_228] {strides = array<i32>} : memref<128x128xi32, #tpu.memory_space<vmem>>, vector<1x16xi32>,
      %get3A_230 = vector.shape_cast %get3A_229 : vector<1x16xi32> to vector<16xi32>
      %convert_element_type3A_231 = arith.sitofp %get3A_230 : vector<16xi32> to vector<16xf32>
      %mul3A_232 = arith.mulf %get3A_226, %convert_element_type3A_231 : vector<16xf32>
      %add3A_233 = arith.addf %scan3A_175, %mul3A_232 : vector<16xf32>
      %add3A_234 = arith.addi %scan3A_183, %get3A_230 : vector<16xi32>
      %get3A_235 = arith.index_cast %scan3A_171 : i32 to index
      %get3A_236 = arith.constant 64 : index
      %get3A_237 = tpu.vector_load %arg6[%get3A_235, %get3A_236] {strides = array<i32>} : memref<128x128xf32, #tpu.memory_space<vmem>>, vector<1x16xf32>,
      %get3A_238 = vector.shape_cast %get3A_237 : vector<1x16xf32> to vector<16xf32>
      %get3A_239 = arith.index_cast %scan3A_171 : i32 to index
      %get3A_240 = arith.constant 64 : index
      %get3A_241 = tpu.vector_load %arg8[%get3A_239, %get3A_240] {strides = array<i32>} : memref<128x128xi32, #tpu.memory_space<vmem>>, vector<1x16xi32>,
      %get3A_242 = vector.shape_cast %get3A_241 : vector<1x16xi32> to vector<16xi32>
      %convert_element_type3A_243 = arith.sitofp %get3A_242 : vector<16xi32> to vector<16xf32>
      %mul3A_244 = arith.mulf %get3A_238, %convert_element_type3A_243 : vector<16xf32>
      %add3A_245 = arith.addf %scan3A_176, %mul3A_244 : vector<16xf32>
      %add3A_246 = arith.addi %scan3A_184, %get3A_242 : vector<16xi32>
      %get3A_247 = arith.index_cast %scan3A_171 : i32 to index
      %get3A_248 = arith.constant 80 : index
      %get3A_249 = tpu.vector_load %arg6[%get3A_247, %get3A_248] {strides = array<i32>} : memref<128x128xf32, #tpu.memory_space<vmem>>, vector<1x16xf32>,
      %get3A_250 = vector.shape_cast %get3A_249 : vector<1x16xf32> to vector<16xf32>
      %get3A_251 = arith.index_cast %scan3A_171 : i32 to index
      %get3A_252 = arith.constant 80 : index
      %get3A_253 = tpu.vector_load %arg8[%get3A_251, %get3A_252] {strides = array<i32>} : memref<128x128xi32, #tpu.memory_space<vmem>>, vector<1x16xi32>,
      %get3A_254 = vector.shape_cast %get3A_253 : vector<1x16xi32> to vector<16xi32>
      %convert_element_type3A_255 = arith.sitofp %get3A_254 : vector<16xi32> to vector<16xf32>
      %mul3A_256 = arith.mulf %get3A_250, %convert_element_type3A_255 : vector<16xf32>
      %add3A_257 = arith.addf %scan3A_177, %mul3A_256 : vector<16xf32>
      %add3A_258 = arith.addi %scan3A_185, %get3A_254 : vector<16xi32>
      %get3A_259 = arith.index_cast %scan3A_171 : i32 to index
      %get3A_260 = arith.constant 96 : index
      %get3A_261 = tpu.vector_load %arg6[%get3A_259, %get3A_260] {strides = array<i32>} : memref<128x128xf32, #tpu.memory_space<vmem>>, vector<1x16xf32>,
      %get3A_262 = vector.shape_cast %get3A_261 : vector<1x16xf32> to vector<16xf32>
      %get3A_263 = arith.index_cast %scan3A_171 : i32 to index
      %get3A_264 = arith.constant 96 : index
      %get3A_265 = tpu.vector_load %arg8[%get3A_263, %get3A_264] {strides = array<i32>} : memref<128x128xi32, #tpu.memory_space<vmem>>, vector<1x16xi32>,
      %get3A_266 = vector.shape_cast %get3A_265 : vector<1x16xi32> to vector<16xi32>
      %convert_element_type3A_267 = arith.sitofp %get3A_266 : vector<16xi32> to vector<16xf32>
      %mul3A_268 = arith.mulf %get3A_262, %convert_element_type3A_267 : vector<16xf32>
      %add3A_269 = arith.addf %scan3A_178, %mul3A_268 : vector<16xf32>
      %add3A_270 = arith.addi %scan3A_186, %get3A_266 : vector<16xi32>
      %get3A_271 = arith.index_cast %scan3A_171 : i32 to index
      %get3A_272 = arith.constant 112 : index
      %get3A_273 = tpu.vector_load %arg6[%get3A_271, %get3A_272] {strides = array<i32>} : memref<128x128xf32, #tpu.memory_space<vmem>>, vector<1x16xf32>,
      %get3A_274 = vector.shape_cast %get3A_273 : vector<1x16xf32> to vector<16xf32>
      %get3A_275 = arith.index_cast %scan3A_171 : i32 to index
      %get3A_276 = arith.constant 112 : index
      %get3A_277 = tpu.vector_load %arg8[%get3A_275, %get3A_276] {strides = array<i32>} : memref<128x128xi32, #tpu.memory_space<vmem>>, vector<1x16xi32>,
      %get3A_278 = vector.shape_cast %get3A_277 : vector<1x16xi32> to vector<16xi32>
      %convert_element_type3A_279 = arith.sitofp %get3A_278 : vector<16xi32> to vector<16xf32>
      %mul3A_280 = arith.mulf %get3A_274, %convert_element_type3A_279 : vector<16xf32>
      %add3A_281 = arith.addf %scan3A_179, %mul3A_280 : vector<16xf32>
      %add3A_282 = arith.addi %scan3A_187, %get3A_278 : vector<16xi32>
      scf.yield %add3A_197, %add3A_209, %add3A_221, %add3A_233, %add3A_245, %add3A_257, %add3A_269, %add3A_281, %add3A_198, %add3A_210, %add3A_222, %add3A_234, %add3A_246, %add3A_258, %add3A_270, %add3A_282 : vector<16xf32>, vector<16xf32>, vector<16xf32>, vector<16xf32>, vector<16xf32>, vector<16xf32>, vector<16xf32>, vector<16xf32>, vector<16xi32>, vector<16xi32>, vector<16xi32>, vector<16xi32>, vector<16xi32>, vector<16xi32>, vector<16xi32>, vector<16xi32>
    }
    %scan3A_38 = arith.constant 128 : i32
    %add3A_39 = arith.constant 256 : i32
    %add3A_40 = arith.addi %add3A_4, %add3A_39 : i32
    %dma_start3A_41 = arith.constant 0 : i32
    %dma_start3A_42 = tpu.memref_slice %arg2[%add3A_40, %dma_start3A_41] : memref<65536x128xf32, #tpu.memory_space<hbm>> -> memref<128x128xf32, #tpu.memory_space<hbm>>
    %dma_start3A_43 = arith.constant 0 : i32
    %dma_start3A_44 = tpu.memref_slice %arg2[%add3A_40, %dma_start3A_43] : memref<65536x128xf32, #tpu.memory_space<hbm>> -> memref<128x128xf32, #tpu.memory_space<hbm>>
    tpu.enqueue_dma source(%dma_start3A_44 : memref<128x128xf32, #tpu.memory_space<hbm>>) target(%arg6 : memref<128x128xf32, #tpu.memory_space<vmem>>) target_semaphore(%arg11 : memref<!tpu.dma_semaphore, #tpu.memory_space<semaphore_mem>>)
    %dma_start3A_45 = arith.constant 0 : i32
    %dma_start3A_46 = tpu.memref_slice %arg3[%add3A_40, %dma_start3A_45] : memref<65536x128xi32, #tpu.memory_space<hbm>> -> memref<128x128xi32, #tpu.memory_space<hbm>>
    %dma_start3A_47 = arith.constant 0 : i32
    %dma_start3A_48 = tpu.memref_slice %arg3[%add3A_40, %dma_start3A_47] : memref<65536x128xi32, #tpu.memory_space<hbm>> -> memref<128x128xi32, #tpu.memory_space<hbm>>
    tpu.enqueue_dma source(%dma_start3A_48 : memref<128x128xi32, #tpu.memory_space<hbm>>) target(%arg8 : memref<128x128xi32, #tpu.memory_space<vmem>>) target_semaphore(%arg13 : memref<!tpu.dma_semaphore, #tpu.memory_space<semaphore_mem>>)
    %dma_wait3A_49 = arith.constant 0 : i32
    %dma_wait3A_50 = tpu.memref_slice %arg2[%add3A_18, %dma_wait3A_49] : memref<65536x128xf32, #tpu.memory_space<hbm>> -> memref<128x128xf32, #tpu.memory_space<hbm>>
    %dma_wait3A_51 = arith.constant 0 : i32
    %dma_wait3A_52 = tpu.memref_slice %arg2[%add3A_18, %dma_wait3A_51] : memref<65536x128xf32, #tpu.memory_space<hbm>> -> memref<128x128xf32, #tpu.memory_space<hbm>>
    tpu.wait_dma2 semaphore(%arg12 : memref<!tpu.dma_semaphore, #tpu.memory_space<semaphore_mem>>) src(%dma_wait3A_52 : memref<128x128xf32, #tpu.memory_space<hbm>>) dst(%arg7 : memref<128x128xf32, #tpu.memory_space<vmem>>)
    %dma_wait3A_53 = arith.constant 0 : i32
    %dma_wait3A_54 = tpu.memref_slice %arg3[%add3A_18, %dma_wait3A_53] : memref<65536x128xi32, #tpu.memory_space<hbm>> -> memref<128x128xi32, #tpu.memory_space<hbm>>
    %dma_wait3A_55 = arith.constant 0 : i32
    %dma_wait3A_56 = tpu.memref_slice %arg3[%add3A_18, %dma_wait3A_55] : memref<65536x128xi32, #tpu.memory_space<hbm>> -> memref<128x128xi32, #tpu.memory_space<hbm>>
    tpu.wait_dma2 semaphore(%arg14 : memref<!tpu.dma_semaphore, #tpu.memory_space<semaphore_mem>>) src(%dma_wait3A_56 : memref<128x128xi32, #tpu.memory_space<hbm>>) dst(%arg9 : memref<128x128xi32, #tpu.memory_space<vmem>>)
    %scan3A_57 = arith.constant 0 : i32
    %scan3A_58 = arith.constant 128 : i32
    %scan3A_59 = arith.addi %scan3A_57, %scan3A_58 : i32
    %scan3A_60 = arith.constant 1 : i32
    %scan3A_61:16 = scf.for %scan3A_171 = %scan3A_57 to %scan3A_59 step %scan3A_60 iter_args(%scan3A_172 = %scan3A_37#0, %scan3A_173 = %scan3A_37#1, %scan3A_174 = %scan3A_37#2, %scan3A_175 = %scan3A_37#3, %scan3A_176 = %scan3A_37#4, %scan3A_177 = %scan3A_37#5, %scan3A_178 = %scan3A_37#6, %scan3A_179 = %scan3A_37#7, %scan3A_180 = %scan3A_37#8, %scan3A_181 = %scan3A_37#9, %scan3A_182 = %scan3A_37#10, %scan3A_183 = %scan3A_37#11, %scan3A_184 = %scan3A_37#12, %scan3A_185 = %scan3A_37#13, %scan3A_186 = %scan3A_37#14, %scan3A_187 = %scan3A_37#15) -> (vector<16xf32>, vector<16xf32>, vector<16xf32>, vector<16xf32>, vector<16xf32>, vector<16xf32>, vector<16xf32>, vector<16xf32>, vector<16xi32>, vector<16xi32>, vector<16xi32>, vector<16xi32>, vector<16xi32>, vector<16xi32>, vector<16xi32>, vector<16xi32>)  : i32 {
      %get3A = arith.index_cast %scan3A_171 : i32 to index
      %get3A_188 = arith.constant 0 : index
      %get3A_189 = tpu.vector_load %arg7[%get3A, %get3A_188] {strides = array<i32>} : memref<128x128xf32, #tpu.memory_space<vmem>>, vector<1x16xf32>,
      %get3A_190 = vector.shape_cast %get3A_189 : vector<1x16xf32> to vector<16xf32>
      %get3A_191 = arith.index_cast %scan3A_171 : i32 to index
      %get3A_192 = arith.constant 0 : index
      %get3A_193 = tpu.vector_load %arg9[%get3A_191, %get3A_192] {strides = array<i32>} : memref<128x128xi32, #tpu.memory_space<vmem>>, vector<1x16xi32>,
      %get3A_194 = vector.shape_cast %get3A_193 : vector<1x16xi32> to vector<16xi32>
      %convert_element_type3A_195 = arith.sitofp %get3A_194 : vector<16xi32> to vector<16xf32>
      %mul3A_196 = arith.mulf %get3A_190, %convert_element_type3A_195 : vector<16xf32>
      %add3A_197 = arith.addf %scan3A_172, %mul3A_196 : vector<16xf32>
      %add3A_198 = arith.addi %scan3A_180, %get3A_194 : vector<16xi32>
      %get3A_199 = arith.index_cast %scan3A_171 : i32 to index
      %get3A_200 = arith.constant 16 : index
      %get3A_201 = tpu.vector_load %arg7[%get3A_199, %get3A_200] {strides = array<i32>} : memref<128x128xf32, #tpu.memory_space<vmem>>, vector<1x16xf32>,
      %get3A_202 = vector.shape_cast %get3A_201 : vector<1x16xf32> to vector<16xf32>
      %get3A_203 = arith.index_cast %scan3A_171 : i32 to index
      %get3A_204 = arith.constant 16 : index
      %get3A_205 = tpu.vector_load %arg9[%get3A_203, %get3A_204] {strides = array<i32>} : memref<128x128xi32, #tpu.memory_space<vmem>>, vector<1x16xi32>,
      %get3A_206 = vector.shape_cast %get3A_205 : vector<1x16xi32> to vector<16xi32>
      %convert_element_type3A_207 = arith.sitofp %get3A_206 : vector<16xi32> to vector<16xf32>
      %mul3A_208 = arith.mulf %get3A_202, %convert_element_type3A_207 : vector<16xf32>
      %add3A_209 = arith.addf %scan3A_173, %mul3A_208 : vector<16xf32>
      %add3A_210 = arith.addi %scan3A_181, %get3A_206 : vector<16xi32>
      %get3A_211 = arith.index_cast %scan3A_171 : i32 to index
      %get3A_212 = arith.constant 32 : index
      %get3A_213 = tpu.vector_load %arg7[%get3A_211, %get3A_212] {strides = array<i32>} : memref<128x128xf32, #tpu.memory_space<vmem>>, vector<1x16xf32>,
      %get3A_214 = vector.shape_cast %get3A_213 : vector<1x16xf32> to vector<16xf32>
      %get3A_215 = arith.index_cast %scan3A_171 : i32 to index
      %get3A_216 = arith.constant 32 : index
      %get3A_217 = tpu.vector_load %arg9[%get3A_215, %get3A_216] {strides = array<i32>} : memref<128x128xi32, #tpu.memory_space<vmem>>, vector<1x16xi32>,
      %get3A_218 = vector.shape_cast %get3A_217 : vector<1x16xi32> to vector<16xi32>
      %convert_element_type3A_219 = arith.sitofp %get3A_218 : vector<16xi32> to vector<16xf32>
      %mul3A_220 = arith.mulf %get3A_214, %convert_element_type3A_219 : vector<16xf32>
      %add3A_221 = arith.addf %scan3A_174, %mul3A_220 : vector<16xf32>
      %add3A_222 = arith.addi %scan3A_182, %get3A_218 : vector<16xi32>
      %get3A_223 = arith.index_cast %scan3A_171 : i32 to index
      %get3A_224 = arith.constant 48 : index
      %get3A_225 = tpu.vector_load %arg7[%get3A_223, %get3A_224] {strides = array<i32>} : memref<128x128xf32, #tpu.memory_space<vmem>>, vector<1x16xf32>,
      %get3A_226 = vector.shape_cast %get3A_225 : vector<1x16xf32> to vector<16xf32>
      %get3A_227 = arith.index_cast %scan3A_171 : i32 to index
      %get3A_228 = arith.constant 48 : index
      %get3A_229 = tpu.vector_load %arg9[%get3A_227, %get3A_228] {strides = array<i32>} : memref<128x128xi32, #tpu.memory_space<vmem>>, vector<1x16xi32>,
      %get3A_230 = vector.shape_cast %get3A_229 : vector<1x16xi32> to vector<16xi32>
      %convert_element_type3A_231 = arith.sitofp %get3A_230 : vector<16xi32> to vector<16xf32>
      %mul3A_232 = arith.mulf %get3A_226, %convert_element_type3A_231 : vector<16xf32>
      %add3A_233 = arith.addf %scan3A_175, %mul3A_232 : vector<16xf32>
      %add3A_234 = arith.addi %scan3A_183, %get3A_230 : vector<16xi32>
      %get3A_235 = arith.index_cast %scan3A_171 : i32 to index
      %get3A_236 = arith.constant 64 : index
      %get3A_237 = tpu.vector_load %arg7[%get3A_235, %get3A_236] {strides = array<i32>} : memref<128x128xf32, #tpu.memory_space<vmem>>, vector<1x16xf32>,
      %get3A_238 = vector.shape_cast %get3A_237 : vector<1x16xf32> to vector<16xf32>
      %get3A_239 = arith.index_cast %scan3A_171 : i32 to index
      %get3A_240 = arith.constant 64 : index
      %get3A_241 = tpu.vector_load %arg9[%get3A_239, %get3A_240] {strides = array<i32>} : memref<128x128xi32, #tpu.memory_space<vmem>>, vector<1x16xi32>,
      %get3A_242 = vector.shape_cast %get3A_241 : vector<1x16xi32> to vector<16xi32>
      %convert_element_type3A_243 = arith.sitofp %get3A_242 : vector<16xi32> to vector<16xf32>
      %mul3A_244 = arith.mulf %get3A_238, %convert_element_type3A_243 : vector<16xf32>
      %add3A_245 = arith.addf %scan3A_176, %mul3A_244 : vector<16xf32>
      %add3A_246 = arith.addi %scan3A_184, %get3A_242 : vector<16xi32>
      %get3A_247 = arith.index_cast %scan3A_171 : i32 to index
      %get3A_248 = arith.constant 80 : index
      %get3A_249 = tpu.vector_load %arg7[%get3A_247, %get3A_248] {strides = array<i32>} : memref<128x128xf32, #tpu.memory_space<vmem>>, vector<1x16xf32>,
      %get3A_250 = vector.shape_cast %get3A_249 : vector<1x16xf32> to vector<16xf32>
      %get3A_251 = arith.index_cast %scan3A_171 : i32 to index
      %get3A_252 = arith.constant 80 : index
      %get3A_253 = tpu.vector_load %arg9[%get3A_251, %get3A_252] {strides = array<i32>} : memref<128x128xi32, #tpu.memory_space<vmem>>, vector<1x16xi32>,
      %get3A_254 = vector.shape_cast %get3A_253 : vector<1x16xi32> to vector<16xi32>
      %convert_element_type3A_255 = arith.sitofp %get3A_254 : vector<16xi32> to vector<16xf32>
      %mul3A_256 = arith.mulf %get3A_250, %convert_element_type3A_255 : vector<16xf32>
      %add3A_257 = arith.addf %scan3A_177, %mul3A_256 : vector<16xf32>
      %add3A_258 = arith.addi %scan3A_185, %get3A_254 : vector<16xi32>
      %get3A_259 = arith.index_cast %scan3A_171 : i32 to index
      %get3A_260 = arith.constant 96 : index
      %get3A_261 = tpu.vector_load %arg7[%get3A_259, %get3A_260] {strides = array<i32>} : memref<128x128xf32, #tpu.memory_space<vmem>>, vector<1x16xf32>,
      %get3A_262 = vector.shape_cast %get3A_261 : vector<1x16xf32> to vector<16xf32>
      %get3A_263 = arith.index_cast %scan3A_171 : i32 to index
      %get3A_264 = arith.constant 96 : index
      %get3A_265 = tpu.vector_load %arg9[%get3A_263, %get3A_264] {strides = array<i32>} : memref<128x128xi32, #tpu.memory_space<vmem>>, vector<1x16xi32>,
      %get3A_266 = vector.shape_cast %get3A_265 : vector<1x16xi32> to vector<16xi32>
      %convert_element_type3A_267 = arith.sitofp %get3A_266 : vector<16xi32> to vector<16xf32>
      %mul3A_268 = arith.mulf %get3A_262, %convert_element_type3A_267 : vector<16xf32>
      %add3A_269 = arith.addf %scan3A_178, %mul3A_268 : vector<16xf32>
      %add3A_270 = arith.addi %scan3A_186, %get3A_266 : vector<16xi32>
      %get3A_271 = arith.index_cast %scan3A_171 : i32 to index
      %get3A_272 = arith.constant 112 : index
      %get3A_273 = tpu.vector_load %arg7[%get3A_271, %get3A_272] {strides = array<i32>} : memref<128x128xf32, #tpu.memory_space<vmem>>, vector<1x16xf32>,
      %get3A_274 = vector.shape_cast %get3A_273 : vector<1x16xf32> to vector<16xf32>
      %get3A_275 = arith.index_cast %scan3A_171 : i32 to index
      %get3A_276 = arith.constant 112 : index
      %get3A_277 = tpu.vector_load %arg9[%get3A_275, %get3A_276] {strides = array<i32>} : memref<128x128xi32, #tpu.memory_space<vmem>>, vector<1x16xi32>,
      %get3A_278 = vector.shape_cast %get3A_277 : vector<1x16xi32> to vector<16xi32>
      %convert_element_type3A_279 = arith.sitofp %get3A_278 : vector<16xi32> to vector<16xf32>
      %mul3A_280 = arith.mulf %get3A_274, %convert_element_type3A_279 : vector<16xf32>
      %add3A_281 = arith.addf %scan3A_179, %mul3A_280 : vector<16xf32>
      %add3A_282 = arith.addi %scan3A_187, %get3A_278 : vector<16xi32>
      scf.yield %add3A_197, %add3A_209, %add3A_221, %add3A_233, %add3A_245, %add3A_257, %add3A_269, %add3A_281, %add3A_198, %add3A_210, %add3A_222, %add3A_234, %add3A_246, %add3A_258, %add3A_270, %add3A_282 : vector<16xf32>, vector<16xf32>, vector<16xf32>, vector<16xf32>, vector<16xf32>, vector<16xf32>, vector<16xf32>, vector<16xf32>, vector<16xi32>, vector<16xi32>, vector<16xi32>, vector<16xi32>, vector<16xi32>, vector<16xi32>, vector<16xi32>, vector<16xi32>
    }
    %scan3A_62 = arith.constant 128 : i32
    %add3A_63 = arith.constant 384 : i32
    %add3A_64 = arith.addi %add3A_4, %add3A_63 : i32
    %dma_start3A_65 = arith.constant 0 : i32
    %dma_start3A_66 = tpu.memref_slice %arg2[%add3A_64, %dma_start3A_65] : memref<65536x128xf32, #tpu.memory_space<hbm>> -> memref<128x128xf32, #tpu.memory_space<hbm>>
    %dma_start3A_67 = arith.constant 0 : i32
    %dma_start3A_68 = tpu.memref_slice %arg2[%add3A_64, %dma_start3A_67] : memref<65536x128xf32, #tpu.memory_space<hbm>> -> memref<128x128xf32, #tpu.memory_space<hbm>>
    tpu.enqueue_dma source(%dma_start3A_68 : memref<128x128xf32, #tpu.memory_space<hbm>>) target(%arg7 : memref<128x128xf32, #tpu.memory_space<vmem>>) target_semaphore(%arg12 : memref<!tpu.dma_semaphore, #tpu.memory_space<semaphore_mem>>)
    %dma_start3A_69 = arith.constant 0 : i32
    %dma_start3A_70 = tpu.memref_slice %arg3[%add3A_64, %dma_start3A_69] : memref<65536x128xi32, #tpu.memory_space<hbm>> -> memref<128x128xi32, #tpu.memory_space<hbm>>
    %dma_start3A_71 = arith.constant 0 : i32
    %dma_start3A_72 = tpu.memref_slice %arg3[%add3A_64, %dma_start3A_71] : memref<65536x128xi32, #tpu.memory_space<hbm>> -> memref<128x128xi32, #tpu.memory_space<hbm>>
    tpu.enqueue_dma source(%dma_start3A_72 : memref<128x128xi32, #tpu.memory_space<hbm>>) target(%arg9 : memref<128x128xi32, #tpu.memory_space<vmem>>) target_semaphore(%arg14 : memref<!tpu.dma_semaphore, #tpu.memory_space<semaphore_mem>>)
    %dma_wait3A_73 = arith.constant 0 : i32
    %dma_wait3A_74 = tpu.memref_slice %arg2[%add3A_40, %dma_wait3A_73] : memref<65536x128xf32, #tpu.memory_space<hbm>> -> memref<128x128xf32, #tpu.memory_space<hbm>>
    %dma_wait3A_75 = arith.constant 0 : i32
    %dma_wait3A_76 = tpu.memref_slice %arg2[%add3A_40, %dma_wait3A_75] : memref<65536x128xf32, #tpu.memory_space<hbm>> -> memref<128x128xf32, #tpu.memory_space<hbm>>
    tpu.wait_dma2 semaphore(%arg11 : memref<!tpu.dma_semaphore, #tpu.memory_space<semaphore_mem>>) src(%dma_wait3A_76 : memref<128x128xf32, #tpu.memory_space<hbm>>) dst(%arg6 : memref<128x128xf32, #tpu.memory_space<vmem>>)
    %dma_wait3A_77 = arith.constant 0 : i32
    %dma_wait3A_78 = tpu.memref_slice %arg3[%add3A_40, %dma_wait3A_77] : memref<65536x128xi32, #tpu.memory_space<hbm>> -> memref<128x128xi32, #tpu.memory_space<hbm>>
    %dma_wait3A_79 = arith.constant 0 : i32
    %dma_wait3A_80 = tpu.memref_slice %arg3[%add3A_40, %dma_wait3A_79] : memref<65536x128xi32, #tpu.memory_space<hbm>> -> memref<128x128xi32, #tpu.memory_space<hbm>>
    tpu.wait_dma2 semaphore(%arg13 : memref<!tpu.dma_semaphore, #tpu.memory_space<semaphore_mem>>) src(%dma_wait3A_80 : memref<128x128xi32, #tpu.memory_space<hbm>>) dst(%arg8 : memref<128x128xi32, #tpu.memory_space<vmem>>)
    %scan3A_81 = arith.constant 0 : i32
    %scan3A_82 = arith.constant 128 : i32
    %scan3A_83 = arith.addi %scan3A_81, %scan3A_82 : i32
    %scan3A_84 = arith.constant 1 : i32
    %scan3A_85:16 = scf.for %scan3A_171 = %scan3A_81 to %scan3A_83 step %scan3A_84 iter_args(%scan3A_172 = %scan3A_61#0, %scan3A_173 = %scan3A_61#1, %scan3A_174 = %scan3A_61#2, %scan3A_175 = %scan3A_61#3, %scan3A_176 = %scan3A_61#4, %scan3A_177 = %scan3A_61#5, %scan3A_178 = %scan3A_61#6, %scan3A_179 = %scan3A_61#7, %scan3A_180 = %scan3A_61#8, %scan3A_181 = %scan3A_61#9, %scan3A_182 = %scan3A_61#10, %scan3A_183 = %scan3A_61#11, %scan3A_184 = %scan3A_61#12, %scan3A_185 = %scan3A_61#13, %scan3A_186 = %scan3A_61#14, %scan3A_187 = %scan3A_61#15) -> (vector<16xf32>, vector<16xf32>, vector<16xf32>, vector<16xf32>, vector<16xf32>, vector<16xf32>, vector<16xf32>, vector<16xf32>, vector<16xi32>, vector<16xi32>, vector<16xi32>, vector<16xi32>, vector<16xi32>, vector<16xi32>, vector<16xi32>, vector<16xi32>)  : i32 {
      %get3A = arith.index_cast %scan3A_171 : i32 to index
      %get3A_188 = arith.constant 0 : index
      %get3A_189 = tpu.vector_load %arg6[%get3A, %get3A_188] {strides = array<i32>} : memref<128x128xf32, #tpu.memory_space<vmem>>, vector<1x16xf32>,
      %get3A_190 = vector.shape_cast %get3A_189 : vector<1x16xf32> to vector<16xf32>
      %get3A_191 = arith.index_cast %scan3A_171 : i32 to index
      %get3A_192 = arith.constant 0 : index
      %get3A_193 = tpu.vector_load %arg8[%get3A_191, %get3A_192] {strides = array<i32>} : memref<128x128xi32, #tpu.memory_space<vmem>>, vector<1x16xi32>,
      %get3A_194 = vector.shape_cast %get3A_193 : vector<1x16xi32> to vector<16xi32>
      %convert_element_type3A_195 = arith.sitofp %get3A_194 : vector<16xi32> to vector<16xf32>
      %mul3A_196 = arith.mulf %get3A_190, %convert_element_type3A_195 : vector<16xf32>
      %add3A_197 = arith.addf %scan3A_172, %mul3A_196 : vector<16xf32>
      %add3A_198 = arith.addi %scan3A_180, %get3A_194 : vector<16xi32>
      %get3A_199 = arith.index_cast %scan3A_171 : i32 to index
      %get3A_200 = arith.constant 16 : index
      %get3A_201 = tpu.vector_load %arg6[%get3A_199, %get3A_200] {strides = array<i32>} : memref<128x128xf32, #tpu.memory_space<vmem>>, vector<1x16xf32>,
      %get3A_202 = vector.shape_cast %get3A_201 : vector<1x16xf32> to vector<16xf32>
      %get3A_203 = arith.index_cast %scan3A_171 : i32 to index
      %get3A_204 = arith.constant 16 : index
      %get3A_205 = tpu.vector_load %arg8[%get3A_203, %get3A_204] {strides = array<i32>} : memref<128x128xi32, #tpu.memory_space<vmem>>, vector<1x16xi32>,
      %get3A_206 = vector.shape_cast %get3A_205 : vector<1x16xi32> to vector<16xi32>
      %convert_element_type3A_207 = arith.sitofp %get3A_206 : vector<16xi32> to vector<16xf32>
      %mul3A_208 = arith.mulf %get3A_202, %convert_element_type3A_207 : vector<16xf32>
      %add3A_209 = arith.addf %scan3A_173, %mul3A_208 : vector<16xf32>
      %add3A_210 = arith.addi %scan3A_181, %get3A_206 : vector<16xi32>
      %get3A_211 = arith.index_cast %scan3A_171 : i32 to index
      %get3A_212 = arith.constant 32 : index
      %get3A_213 = tpu.vector_load %arg6[%get3A_211, %get3A_212] {strides = array<i32>} : memref<128x128xf32, #tpu.memory_space<vmem>>, vector<1x16xf32>,
      %get3A_214 = vector.shape_cast %get3A_213 : vector<1x16xf32> to vector<16xf32>
      %get3A_215 = arith.index_cast %scan3A_171 : i32 to index
      %get3A_216 = arith.constant 32 : index
      %get3A_217 = tpu.vector_load %arg8[%get3A_215, %get3A_216] {strides = array<i32>} : memref<128x128xi32, #tpu.memory_space<vmem>>, vector<1x16xi32>,
      %get3A_218 = vector.shape_cast %get3A_217 : vector<1x16xi32> to vector<16xi32>
      %convert_element_type3A_219 = arith.sitofp %get3A_218 : vector<16xi32> to vector<16xf32>
      %mul3A_220 = arith.mulf %get3A_214, %convert_element_type3A_219 : vector<16xf32>
      %add3A_221 = arith.addf %scan3A_174, %mul3A_220 : vector<16xf32>
      %add3A_222 = arith.addi %scan3A_182, %get3A_218 : vector<16xi32>
      %get3A_223 = arith.index_cast %scan3A_171 : i32 to index
      %get3A_224 = arith.constant 48 : index
      %get3A_225 = tpu.vector_load %arg6[%get3A_223, %get3A_224] {strides = array<i32>} : memref<128x128xf32, #tpu.memory_space<vmem>>, vector<1x16xf32>,
      %get3A_226 = vector.shape_cast %get3A_225 : vector<1x16xf32> to vector<16xf32>
      %get3A_227 = arith.index_cast %scan3A_171 : i32 to index
      %get3A_228 = arith.constant 48 : index
      %get3A_229 = tpu.vector_load %arg8[%get3A_227, %get3A_228] {strides = array<i32>} : memref<128x128xi32, #tpu.memory_space<vmem>>, vector<1x16xi32>,
      %get3A_230 = vector.shape_cast %get3A_229 : vector<1x16xi32> to vector<16xi32>
      %convert_element_type3A_231 = arith.sitofp %get3A_230 : vector<16xi32> to vector<16xf32>
      %mul3A_232 = arith.mulf %get3A_226, %convert_element_type3A_231 : vector<16xf32>
      %add3A_233 = arith.addf %scan3A_175, %mul3A_232 : vector<16xf32>
      %add3A_234 = arith.addi %scan3A_183, %get3A_230 : vector<16xi32>
      %get3A_235 = arith.index_cast %scan3A_171 : i32 to index
      %get3A_236 = arith.constant 64 : index
      %get3A_237 = tpu.vector_load %arg6[%get3A_235, %get3A_236] {strides = array<i32>} : memref<128x128xf32, #tpu.memory_space<vmem>>, vector<1x16xf32>,
      %get3A_238 = vector.shape_cast %get3A_237 : vector<1x16xf32> to vector<16xf32>
      %get3A_239 = arith.index_cast %scan3A_171 : i32 to index
      %get3A_240 = arith.constant 64 : index
      %get3A_241 = tpu.vector_load %arg8[%get3A_239, %get3A_240] {strides = array<i32>} : memref<128x128xi32, #tpu.memory_space<vmem>>, vector<1x16xi32>,
      %get3A_242 = vector.shape_cast %get3A_241 : vector<1x16xi32> to vector<16xi32>
      %convert_element_type3A_243 = arith.sitofp %get3A_242 : vector<16xi32> to vector<16xf32>
      %mul3A_244 = arith.mulf %get3A_238, %convert_element_type3A_243 : vector<16xf32>
      %add3A_245 = arith.addf %scan3A_176, %mul3A_244 : vector<16xf32>
      %add3A_246 = arith.addi %scan3A_184, %get3A_242 : vector<16xi32>
      %get3A_247 = arith.index_cast %scan3A_171 : i32 to index
      %get3A_248 = arith.constant 80 : index
      %get3A_249 = tpu.vector_load %arg6[%get3A_247, %get3A_248] {strides = array<i32>} : memref<128x128xf32, #tpu.memory_space<vmem>>, vector<1x16xf32>,
      %get3A_250 = vector.shape_cast %get3A_249 : vector<1x16xf32> to vector<16xf32>
      %get3A_251 = arith.index_cast %scan3A_171 : i32 to index
      %get3A_252 = arith.constant 80 : index
      %get3A_253 = tpu.vector_load %arg8[%get3A_251, %get3A_252] {strides = array<i32>} : memref<128x128xi32, #tpu.memory_space<vmem>>, vector<1x16xi32>,
      %get3A_254 = vector.shape_cast %get3A_253 : vector<1x16xi32> to vector<16xi32>
      %convert_element_type3A_255 = arith.sitofp %get3A_254 : vector<16xi32> to vector<16xf32>
      %mul3A_256 = arith.mulf %get3A_250, %convert_element_type3A_255 : vector<16xf32>
      %add3A_257 = arith.addf %scan3A_177, %mul3A_256 : vector<16xf32>
      %add3A_258 = arith.addi %scan3A_185, %get3A_254 : vector<16xi32>
      %get3A_259 = arith.index_cast %scan3A_171 : i32 to index
      %get3A_260 = arith.constant 96 : index
      %get3A_261 = tpu.vector_load %arg6[%get3A_259, %get3A_260] {strides = array<i32>} : memref<128x128xf32, #tpu.memory_space<vmem>>, vector<1x16xf32>,
      %get3A_262 = vector.shape_cast %get3A_261 : vector<1x16xf32> to vector<16xf32>
      %get3A_263 = arith.index_cast %scan3A_171 : i32 to index
      %get3A_264 = arith.constant 96 : index
      %get3A_265 = tpu.vector_load %arg8[%get3A_263, %get3A_264] {strides = array<i32>} : memref<128x128xi32, #tpu.memory_space<vmem>>, vector<1x16xi32>,
      %get3A_266 = vector.shape_cast %get3A_265 : vector<1x16xi32> to vector<16xi32>
      %convert_element_type3A_267 = arith.sitofp %get3A_266 : vector<16xi32> to vector<16xf32>
      %mul3A_268 = arith.mulf %get3A_262, %convert_element_type3A_267 : vector<16xf32>
      %add3A_269 = arith.addf %scan3A_178, %mul3A_268 : vector<16xf32>
      %add3A_270 = arith.addi %scan3A_186, %get3A_266 : vector<16xi32>
      %get3A_271 = arith.index_cast %scan3A_171 : i32 to index
      %get3A_272 = arith.constant 112 : index
      %get3A_273 = tpu.vector_load %arg6[%get3A_271, %get3A_272] {strides = array<i32>} : memref<128x128xf32, #tpu.memory_space<vmem>>, vector<1x16xf32>,
      %get3A_274 = vector.shape_cast %get3A_273 : vector<1x16xf32> to vector<16xf32>
      %get3A_275 = arith.index_cast %scan3A_171 : i32 to index
      %get3A_276 = arith.constant 112 : index
      %get3A_277 = tpu.vector_load %arg8[%get3A_275, %get3A_276] {strides = array<i32>} : memref<128x128xi32, #tpu.memory_space<vmem>>, vector<1x16xi32>,
      %get3A_278 = vector.shape_cast %get3A_277 : vector<1x16xi32> to vector<16xi32>
      %convert_element_type3A_279 = arith.sitofp %get3A_278 : vector<16xi32> to vector<16xf32>
      %mul3A_280 = arith.mulf %get3A_274, %convert_element_type3A_279 : vector<16xf32>
      %add3A_281 = arith.addf %scan3A_179, %mul3A_280 : vector<16xf32>
      %add3A_282 = arith.addi %scan3A_187, %get3A_278 : vector<16xi32>
      scf.yield %add3A_197, %add3A_209, %add3A_221, %add3A_233, %add3A_245, %add3A_257, %add3A_269, %add3A_281, %add3A_198, %add3A_210, %add3A_222, %add3A_234, %add3A_246, %add3A_258, %add3A_270, %add3A_282 : vector<16xf32>, vector<16xf32>, vector<16xf32>, vector<16xf32>, vector<16xf32>, vector<16xf32>, vector<16xf32>, vector<16xf32>, vector<16xi32>, vector<16xi32>, vector<16xi32>, vector<16xi32>, vector<16xi32>, vector<16xi32>, vector<16xi32>, vector<16xi32>
    }
    %scan3A_86 = arith.constant 128 : i32
    %dma_wait3A_87 = arith.constant 0 : i32
    %dma_wait3A_88 = tpu.memref_slice %arg2[%add3A_64, %dma_wait3A_87] : memref<65536x128xf32, #tpu.memory_space<hbm>> -> memref<128x128xf32, #tpu.memory_space<hbm>>
    %dma_wait3A_89 = arith.constant 0 : i32
    %dma_wait3A_90 = tpu.memref_slice %arg2[%add3A_64, %dma_wait3A_89] : memref<65536x128xf32, #tpu.memory_space<hbm>> -> memref<128x128xf32, #tpu.memory_space<hbm>>
    tpu.wait_dma2 semaphore(%arg12 : memref<!tpu.dma_semaphore, #tpu.memory_space<semaphore_mem>>) src(%dma_wait3A_90 : memref<128x128xf32, #tpu.memory_space<hbm>>) dst(%arg7 : memref<128x128xf32, #tpu.memory_space<vmem>>)
    %dma_wait3A_91 = arith.constant 0 : i32
    %dma_wait3A_92 = tpu.memref_slice %arg3[%add3A_64, %dma_wait3A_91] : memref<65536x128xi32, #tpu.memory_space<hbm>> -> memref<128x128xi32, #tpu.memory_space<hbm>>
    %dma_wait3A_93 = arith.constant 0 : i32
    %dma_wait3A_94 = tpu.memref_slice %arg3[%add3A_64, %dma_wait3A_93] : memref<65536x128xi32, #tpu.memory_space<hbm>> -> memref<128x128xi32, #tpu.memory_space<hbm>>
    tpu.wait_dma2 semaphore(%arg14 : memref<!tpu.dma_semaphore, #tpu.memory_space<semaphore_mem>>) src(%dma_wait3A_94 : memref<128x128xi32, #tpu.memory_space<hbm>>) dst(%arg9 : memref<128x128xi32, #tpu.memory_space<vmem>>)
    %scan3A_95 = arith.constant 0 : i32
    %scan3A_96 = arith.constant 128 : i32
    %scan3A_97 = arith.addi %scan3A_95, %scan3A_96 : i32
    %scan3A_98 = arith.constant 1 : i32
    %scan3A_99:16 = scf.for %scan3A_171 = %scan3A_95 to %scan3A_97 step %scan3A_98 iter_args(%scan3A_172 = %scan3A_85#0, %scan3A_173 = %scan3A_85#1, %scan3A_174 = %scan3A_85#2, %scan3A_175 = %scan3A_85#3, %scan3A_176 = %scan3A_85#4, %scan3A_177 = %scan3A_85#5, %scan3A_178 = %scan3A_85#6, %scan3A_179 = %scan3A_85#7, %scan3A_180 = %scan3A_85#8, %scan3A_181 = %scan3A_85#9, %scan3A_182 = %scan3A_85#10, %scan3A_183 = %scan3A_85#11, %scan3A_184 = %scan3A_85#12, %scan3A_185 = %scan3A_85#13, %scan3A_186 = %scan3A_85#14, %scan3A_187 = %scan3A_85#15) -> (vector<16xf32>, vector<16xf32>, vector<16xf32>, vector<16xf32>, vector<16xf32>, vector<16xf32>, vector<16xf32>, vector<16xf32>, vector<16xi32>, vector<16xi32>, vector<16xi32>, vector<16xi32>, vector<16xi32>, vector<16xi32>, vector<16xi32>, vector<16xi32>)  : i32 {
      %get3A = arith.index_cast %scan3A_171 : i32 to index
      %get3A_188 = arith.constant 0 : index
      %get3A_189 = tpu.vector_load %arg7[%get3A, %get3A_188] {strides = array<i32>} : memref<128x128xf32, #tpu.memory_space<vmem>>, vector<1x16xf32>,
      %get3A_190 = vector.shape_cast %get3A_189 : vector<1x16xf32> to vector<16xf32>
      %get3A_191 = arith.index_cast %scan3A_171 : i32 to index
      %get3A_192 = arith.constant 0 : index
      %get3A_193 = tpu.vector_load %arg9[%get3A_191, %get3A_192] {strides = array<i32>} : memref<128x128xi32, #tpu.memory_space<vmem>>, vector<1x16xi32>,
      %get3A_194 = vector.shape_cast %get3A_193 : vector<1x16xi32> to vector<16xi32>
      %convert_element_type3A_195 = arith.sitofp %get3A_194 : vector<16xi32> to vector<16xf32>
      %mul3A_196 = arith.mulf %get3A_190, %convert_element_type3A_195 : vector<16xf32>
      %add3A_197 = arith.addf %scan3A_172, %mul3A_196 : vector<16xf32>
      %add3A_198 = arith.addi %scan3A_180, %get3A_194 : vector<16xi32>
      %get3A_199 = arith.index_cast %scan3A_171 : i32 to index
      %get3A_200 = arith.constant 16 : index
      %get3A_201 = tpu.vector_load %arg7[%get3A_199, %get3A_200] {strides = array<i32>} : memref<128x128xf32, #tpu.memory_space<vmem>>, vector<1x16xf32>,
      %get3A_202 = vector.shape_cast %get3A_201 : vector<1x16xf32> to vector<16xf32>
      %get3A_203 = arith.index_cast %scan3A_171 : i32 to index
      %get3A_204 = arith.constant 16 : index
      %get3A_205 = tpu.vector_load %arg9[%get3A_203, %get3A_204] {strides = array<i32>} : memref<128x128xi32, #tpu.memory_space<vmem>>, vector<1x16xi32>,
      %get3A_206 = vector.shape_cast %get3A_205 : vector<1x16xi32> to vector<16xi32>
      %convert_element_type3A_207 = arith.sitofp %get3A_206 : vector<16xi32> to vector<16xf32>
      %mul3A_208 = arith.mulf %get3A_202, %convert_element_type3A_207 : vector<16xf32>
      %add3A_209 = arith.addf %scan3A_173, %mul3A_208 : vector<16xf32>
      %add3A_210 = arith.addi %scan3A_181, %get3A_206 : vector<16xi32>
      %get3A_211 = arith.index_cast %scan3A_171 : i32 to index
      %get3A_212 = arith.constant 32 : index
      %get3A_213 = tpu.vector_load %arg7[%get3A_211, %get3A_212] {strides = array<i32>} : memref<128x128xf32, #tpu.memory_space<vmem>>, vector<1x16xf32>,
      %get3A_214 = vector.shape_cast %get3A_213 : vector<1x16xf32> to vector<16xf32>
      %get3A_215 = arith.index_cast %scan3A_171 : i32 to index
      %get3A_216 = arith.constant 32 : index
      %get3A_217 = tpu.vector_load %arg9[%get3A_215, %get3A_216] {strides = array<i32>} : memref<128x128xi32, #tpu.memory_space<vmem>>, vector<1x16xi32>,
      %get3A_218 = vector.shape_cast %get3A_217 : vector<1x16xi32> to vector<16xi32>
      %convert_element_type3A_219 = arith.sitofp %get3A_218 : vector<16xi32> to vector<16xf32>
      %mul3A_220 = arith.mulf %get3A_214, %convert_element_type3A_219 : vector<16xf32>
      %add3A_221 = arith.addf %scan3A_174, %mul3A_220 : vector<16xf32>
      %add3A_222 = arith.addi %scan3A_182, %get3A_218 : vector<16xi32>
      %get3A_223 = arith.index_cast %scan3A_171 : i32 to index
      %get3A_224 = arith.constant 48 : index
      %get3A_225 = tpu.vector_load %arg7[%get3A_223, %get3A_224] {strides = array<i32>} : memref<128x128xf32, #tpu.memory_space<vmem>>, vector<1x16xf32>,
      %get3A_226 = vector.shape_cast %get3A_225 : vector<1x16xf32> to vector<16xf32>
      %get3A_227 = arith.index_cast %scan3A_171 : i32 to index
      %get3A_228 = arith.constant 48 : index
      %get3A_229 = tpu.vector_load %arg9[%get3A_227, %get3A_228] {strides = array<i32>} : memref<128x128xi32, #tpu.memory_space<vmem>>, vector<1x16xi32>,
      %get3A_230 = vector.shape_cast %get3A_229 : vector<1x16xi32> to vector<16xi32>
      %convert_element_type3A_231 = arith.sitofp %get3A_230 : vector<16xi32> to vector<16xf32>
      %mul3A_232 = arith.mulf %get3A_226, %convert_element_type3A_231 : vector<16xf32>
      %add3A_233 = arith.addf %scan3A_175, %mul3A_232 : vector<16xf32>
      %add3A_234 = arith.addi %scan3A_183, %get3A_230 : vector<16xi32>
      %get3A_235 = arith.index_cast %scan3A_171 : i32 to index
      %get3A_236 = arith.constant 64 : index
      %get3A_237 = tpu.vector_load %arg7[%get3A_235, %get3A_236] {strides = array<i32>} : memref<128x128xf32, #tpu.memory_space<vmem>>, vector<1x16xf32>,
      %get3A_238 = vector.shape_cast %get3A_237 : vector<1x16xf32> to vector<16xf32>
      %get3A_239 = arith.index_cast %scan3A_171 : i32 to index
      %get3A_240 = arith.constant 64 : index
      %get3A_241 = tpu.vector_load %arg9[%get3A_239, %get3A_240] {strides = array<i32>} : memref<128x128xi32, #tpu.memory_space<vmem>>, vector<1x16xi32>,
      %get3A_242 = vector.shape_cast %get3A_241 : vector<1x16xi32> to vector<16xi32>
      %convert_element_type3A_243 = arith.sitofp %get3A_242 : vector<16xi32> to vector<16xf32>
      %mul3A_244 = arith.mulf %get3A_238, %convert_element_type3A_243 : vector<16xf32>
      %add3A_245 = arith.addf %scan3A_176, %mul3A_244 : vector<16xf32>
      %add3A_246 = arith.addi %scan3A_184, %get3A_242 : vector<16xi32>
      %get3A_247 = arith.index_cast %scan3A_171 : i32 to index
      %get3A_248 = arith.constant 80 : index
      %get3A_249 = tpu.vector_load %arg7[%get3A_247, %get3A_248] {strides = array<i32>} : memref<128x128xf32, #tpu.memory_space<vmem>>, vector<1x16xf32>,
      %get3A_250 = vector.shape_cast %get3A_249 : vector<1x16xf32> to vector<16xf32>
      %get3A_251 = arith.index_cast %scan3A_171 : i32 to index
      %get3A_252 = arith.constant 80 : index
      %get3A_253 = tpu.vector_load %arg9[%get3A_251, %get3A_252] {strides = array<i32>} : memref<128x128xi32, #tpu.memory_space<vmem>>, vector<1x16xi32>,
      %get3A_254 = vector.shape_cast %get3A_253 : vector<1x16xi32> to vector<16xi32>
      %convert_element_type3A_255 = arith.sitofp %get3A_254 : vector<16xi32> to vector<16xf32>
      %mul3A_256 = arith.mulf %get3A_250, %convert_element_type3A_255 : vector<16xf32>
      %add3A_257 = arith.addf %scan3A_177, %mul3A_256 : vector<16xf32>
      %add3A_258 = arith.addi %scan3A_185, %get3A_254 : vector<16xi32>
      %get3A_259 = arith.index_cast %scan3A_171 : i32 to index
      %get3A_260 = arith.constant 96 : index
      %get3A_261 = tpu.vector_load %arg7[%get3A_259, %get3A_260] {strides = array<i32>} : memref<128x128xf32, #tpu.memory_space<vmem>>, vector<1x16xf32>,
      %get3A_262 = vector.shape_cast %get3A_261 : vector<1x16xf32> to vector<16xf32>
      %get3A_263 = arith.index_cast %scan3A_171 : i32 to index
      %get3A_264 = arith.constant 96 : index
      %get3A_265 = tpu.vector_load %arg9[%get3A_263, %get3A_264] {strides = array<i32>} : memref<128x128xi32, #tpu.memory_space<vmem>>, vector<1x16xi32>,
      %get3A_266 = vector.shape_cast %get3A_265 : vector<1x16xi32> to vector<16xi32>
      %convert_element_type3A_267 = arith.sitofp %get3A_266 : vector<16xi32> to vector<16xf32>
      %mul3A_268 = arith.mulf %get3A_262, %convert_element_type3A_267 : vector<16xf32>
      %add3A_269 = arith.addf %scan3A_178, %mul3A_268 : vector<16xf32>
      %add3A_270 = arith.addi %scan3A_186, %get3A_266 : vector<16xi32>
      %get3A_271 = arith.index_cast %scan3A_171 : i32 to index
      %get3A_272 = arith.constant 112 : index
      %get3A_273 = tpu.vector_load %arg7[%get3A_271, %get3A_272] {strides = array<i32>} : memref<128x128xf32, #tpu.memory_space<vmem>>, vector<1x16xf32>,
      %get3A_274 = vector.shape_cast %get3A_273 : vector<1x16xf32> to vector<16xf32>
      %get3A_275 = arith.index_cast %scan3A_171 : i32 to index
      %get3A_276 = arith.constant 112 : index
      %get3A_277 = tpu.vector_load %arg9[%get3A_275, %get3A_276] {strides = array<i32>} : memref<128x128xi32, #tpu.memory_space<vmem>>, vector<1x16xi32>,
      %get3A_278 = vector.shape_cast %get3A_277 : vector<1x16xi32> to vector<16xi32>
      %convert_element_type3A_279 = arith.sitofp %get3A_278 : vector<16xi32> to vector<16xf32>
      %mul3A_280 = arith.mulf %get3A_274, %convert_element_type3A_279 : vector<16xf32>
      %add3A_281 = arith.addf %scan3A_179, %mul3A_280 : vector<16xf32>
      %add3A_282 = arith.addi %scan3A_187, %get3A_278 : vector<16xi32>
      scf.yield %add3A_197, %add3A_209, %add3A_221, %add3A_233, %add3A_245, %add3A_257, %add3A_269, %add3A_281, %add3A_198, %add3A_210, %add3A_222, %add3A_234, %add3A_246, %add3A_258, %add3A_270, %add3A_282 : vector<16xf32>, vector<16xf32>, vector<16xf32>, vector<16xf32>, vector<16xf32>, vector<16xf32>, vector<16xf32>, vector<16xf32>, vector<16xi32>, vector<16xi32>, vector<16xi32>, vector<16xi32>, vector<16xi32>, vector<16xi32>, vector<16xi32>, vector<16xi32>
    }
    %scan3A_100 = arith.constant 128 : i32
    %swap3A = arith.constant 0 : index
    %swap3A_101 = tpu.vector_load %arg10[%swap3A] {strides = array<i32>} : memref<128xf32, #tpu.memory_space<vmem>>, vector<16xf32>,
    %swap3A_102 = vector.shape_cast %swap3A_101 : vector<16xf32> to vector<16xf32>
    %swap3A_103 = vector.shape_cast %scan3A_99#0 : vector<16xf32> to vector<16xf32>
    tpu.vector_store %arg10[%swap3A], %swap3A_103 {strides = array<i32>} : memref<128xf32, #tpu.memory_space<vmem>>, vector<16xf32>,
    %swap3A_104 = arith.constant 16 : index
    %swap3A_105 = tpu.vector_load %arg10[%swap3A_104] {strides = array<i32>} : memref<128xf32, #tpu.memory_space<vmem>>, vector<16xf32>,
    %swap3A_106 = vector.shape_cast %swap3A_105 : vector<16xf32> to vector<16xf32>
    %swap3A_107 = vector.shape_cast %scan3A_99#1 : vector<16xf32> to vector<16xf32>
    tpu.vector_store %arg10[%swap3A_104], %swap3A_107 {strides = array<i32>} : memref<128xf32, #tpu.memory_space<vmem>>, vector<16xf32>,
    %swap3A_108 = arith.constant 32 : index
    %swap3A_109 = tpu.vector_load %arg10[%swap3A_108] {strides = array<i32>} : memref<128xf32, #tpu.memory_space<vmem>>, vector<16xf32>,
    %swap3A_110 = vector.shape_cast %swap3A_109 : vector<16xf32> to vector<16xf32>
    %swap3A_111 = vector.shape_cast %scan3A_99#2 : vector<16xf32> to vector<16xf32>
    tpu.vector_store %arg10[%swap3A_108], %swap3A_111 {strides = array<i32>} : memref<128xf32, #tpu.memory_space<vmem>>, vector<16xf32>,
    %swap3A_112 = arith.constant 48 : index
    %swap3A_113 = tpu.vector_load %arg10[%swap3A_112] {strides = array<i32>} : memref<128xf32, #tpu.memory_space<vmem>>, vector<16xf32>,
    %swap3A_114 = vector.shape_cast %swap3A_113 : vector<16xf32> to vector<16xf32>
    %swap3A_115 = vector.shape_cast %scan3A_99#3 : vector<16xf32> to vector<16xf32>
    tpu.vector_store %arg10[%swap3A_112], %swap3A_115 {strides = array<i32>} : memref<128xf32, #tpu.memory_space<vmem>>, vector<16xf32>,
    %swap3A_116 = arith.constant 64 : index
    %swap3A_117 = tpu.vector_load %arg10[%swap3A_116] {strides = array<i32>} : memref<128xf32, #tpu.memory_space<vmem>>, vector<16xf32>,
    %swap3A_118 = vector.shape_cast %swap3A_117 : vector<16xf32> to vector<16xf32>
    %swap3A_119 = vector.shape_cast %scan3A_99#4 : vector<16xf32> to vector<16xf32>
    tpu.vector_store %arg10[%swap3A_116], %swap3A_119 {strides = array<i32>} : memref<128xf32, #tpu.memory_space<vmem>>, vector<16xf32>,
    %swap3A_120 = arith.constant 80 : index
    %swap3A_121 = tpu.vector_load %arg10[%swap3A_120] {strides = array<i32>} : memref<128xf32, #tpu.memory_space<vmem>>, vector<16xf32>,
    %swap3A_122 = vector.shape_cast %swap3A_121 : vector<16xf32> to vector<16xf32>
    %swap3A_123 = vector.shape_cast %scan3A_99#5 : vector<16xf32> to vector<16xf32>
    tpu.vector_store %arg10[%swap3A_120], %swap3A_123 {strides = array<i32>} : memref<128xf32, #tpu.memory_space<vmem>>, vector<16xf32>,
    %swap3A_124 = arith.constant 96 : index
    %swap3A_125 = tpu.vector_load %arg10[%swap3A_124] {strides = array<i32>} : memref<128xf32, #tpu.memory_space<vmem>>, vector<16xf32>,
    %swap3A_126 = vector.shape_cast %swap3A_125 : vector<16xf32> to vector<16xf32>
    %swap3A_127 = vector.shape_cast %scan3A_99#6 : vector<16xf32> to vector<16xf32>
    tpu.vector_store %arg10[%swap3A_124], %swap3A_127 {strides = array<i32>} : memref<128xf32, #tpu.memory_space<vmem>>, vector<16xf32>,
    %swap3A_128 = arith.constant 112 : index
    %swap3A_129 = tpu.vector_load %arg10[%swap3A_128] {strides = array<i32>} : memref<128xf32, #tpu.memory_space<vmem>>, vector<16xf32>,
    %swap3A_130 = vector.shape_cast %swap3A_129 : vector<16xf32> to vector<16xf32>
    %swap3A_131 = vector.shape_cast %scan3A_99#7 : vector<16xf32> to vector<16xf32>
    tpu.vector_store %arg10[%swap3A_128], %swap3A_131 {strides = array<i32>} : memref<128xf32, #tpu.memory_space<vmem>>, vector<16xf32>,
    "tpu.region"() ({
      %run_scoped3A = tpu.sem_alloc : memref<!tpu.dma_semaphore, #tpu.memory_space<semaphore_mem>>
      %dma_start3A_171 = arith.constant 0 : i32
      %dma_start3A_172 = tpu.memref_slice %arg4[%add3A, %dma_start3A_171] : memref<32x128xf32, #tpu.memory_space<hbm>> -> memref<1x128xf32, #tpu.memory_space<hbm>>
      %dma_start3A_173 = tpu.memref_squeeze %dma_start3A_172 : memref<1x128xf32, #tpu.memory_space<hbm>> -> memref<128xf32, #tpu.memory_space<hbm>>
      %dma_start3A_174 = arith.constant 0 : i32
      %dma_start3A_175 = tpu.memref_slice %arg4[%add3A, %dma_start3A_174] : memref<32x128xf32, #tpu.memory_space<hbm>> -> memref<1x128xf32, #tpu.memory_space<hbm>>
      %dma_start3A_176 = tpu.memref_squeeze %dma_start3A_175 : memref<1x128xf32, #tpu.memory_space<hbm>> -> memref<128xf32, #tpu.memory_space<hbm>>
      tpu.enqueue_dma source(%arg10 : memref<128xf32, #tpu.memory_space<vmem>>) target(%dma_start3A_176 : memref<128xf32, #tpu.memory_space<hbm>>) target_semaphore(%run_scoped3A : memref<!tpu.dma_semaphore, #tpu.memory_space<semaphore_mem>>)
      %dma_wait3A_177 = arith.constant 0 : i32
      %dma_wait3A_178 = tpu.memref_slice %arg4[%add3A, %dma_wait3A_177] : memref<32x128xf32, #tpu.memory_space<hbm>> -> memref<1x128xf32, #tpu.memory_space<hbm>>
      %dma_wait3A_179 = tpu.memref_squeeze %dma_wait3A_178 : memref<1x128xf32, #tpu.memory_space<hbm>> -> memref<128xf32, #tpu.memory_space<hbm>>
      %dma_wait3A_180 = arith.constant 0 : i32
      %dma_wait3A_181 = tpu.memref_slice %arg4[%add3A, %dma_wait3A_180] : memref<32x128xf32, #tpu.memory_space<hbm>> -> memref<1x128xf32, #tpu.memory_space<hbm>>
      %dma_wait3A_182 = tpu.memref_squeeze %dma_wait3A_181 : memref<1x128xf32, #tpu.memory_space<hbm>> -> memref<128xf32, #tpu.memory_space<hbm>>
      tpu.wait_dma2 semaphore(%run_scoped3A : memref<!tpu.dma_semaphore, #tpu.memory_space<semaphore_mem>>) src(%arg10 : memref<128xf32, #tpu.memory_space<vmem>>) dst(%dma_wait3A_182 : memref<128xf32, #tpu.memory_space<hbm>>)
      tpu.yield
    }) : () -> ()
    %convert_element_type3A = arith.sitofp %scan3A_99#8 : vector<16xi32> to vector<16xf32>
    %swap3A_132 = arith.constant 0 : index
    %swap3A_133 = tpu.vector_load %arg10[%swap3A_132] {strides = array<i32>} : memref<128xf32, #tpu.memory_space<vmem>>, vector<16xf32>,
    %swap3A_134 = vector.shape_cast %swap3A_133 : vector<16xf32> to vector<16xf32>
    %swap3A_135 = vector.shape_cast %convert_element_type3A : vector<16xf32> to vector<16xf32>
    tpu.vector_store %arg10[%swap3A_132], %swap3A_135 {strides = array<i32>} : memref<128xf32, #tpu.memory_space<vmem>>, vector<16xf32>,
    %convert_element_type3A_136 = arith.sitofp %scan3A_99#9 : vector<16xi32> to vector<16xf32>
    %swap3A_137 = arith.constant 16 : index
    %swap3A_138 = tpu.vector_load %arg10[%swap3A_137] {strides = array<i32>} : memref<128xf32, #tpu.memory_space<vmem>>, vector<16xf32>,
    %swap3A_139 = vector.shape_cast %swap3A_138 : vector<16xf32> to vector<16xf32>
    %swap3A_140 = vector.shape_cast %convert_element_type3A_136 : vector<16xf32> to vector<16xf32>
    tpu.vector_store %arg10[%swap3A_137], %swap3A_140 {strides = array<i32>} : memref<128xf32, #tpu.memory_space<vmem>>, vector<16xf32>,
    %convert_element_type3A_141 = arith.sitofp %scan3A_99#10 : vector<16xi32> to vector<16xf32>
    %swap3A_142 = arith.constant 32 : index
    %swap3A_143 = tpu.vector_load %arg10[%swap3A_142] {strides = array<i32>} : memref<128xf32, #tpu.memory_space<vmem>>, vector<16xf32>,
    %swap3A_144 = vector.shape_cast %swap3A_143 : vector<16xf32> to vector<16xf32>
    %swap3A_145 = vector.shape_cast %convert_element_type3A_141 : vector<16xf32> to vector<16xf32>
    tpu.vector_store %arg10[%swap3A_142], %swap3A_145 {strides = array<i32>} : memref<128xf32, #tpu.memory_space<vmem>>, vector<16xf32>,
    %convert_element_type3A_146 = arith.sitofp %scan3A_99#11 : vector<16xi32> to vector<16xf32>
    %swap3A_147 = arith.constant 48 : index
    %swap3A_148 = tpu.vector_load %arg10[%swap3A_147] {strides = array<i32>} : memref<128xf32, #tpu.memory_space<vmem>>, vector<16xf32>,
    %swap3A_149 = vector.shape_cast %swap3A_148 : vector<16xf32> to vector<16xf32>
    %swap3A_150 = vector.shape_cast %convert_element_type3A_146 : vector<16xf32> to vector<16xf32>
    tpu.vector_store %arg10[%swap3A_147], %swap3A_150 {strides = array<i32>} : memref<128xf32, #tpu.memory_space<vmem>>, vector<16xf32>,
    %convert_element_type3A_151 = arith.sitofp %scan3A_99#12 : vector<16xi32> to vector<16xf32>
    %swap3A_152 = arith.constant 64 : index
    %swap3A_153 = tpu.vector_load %arg10[%swap3A_152] {strides = array<i32>} : memref<128xf32, #tpu.memory_space<vmem>>, vector<16xf32>,
    %swap3A_154 = vector.shape_cast %swap3A_153 : vector<16xf32> to vector<16xf32>
    %swap3A_155 = vector.shape_cast %convert_element_type3A_151 : vector<16xf32> to vector<16xf32>
    tpu.vector_store %arg10[%swap3A_152], %swap3A_155 {strides = array<i32>} : memref<128xf32, #tpu.memory_space<vmem>>, vector<16xf32>,
    %convert_element_type3A_156 = arith.sitofp %scan3A_99#13 : vector<16xi32> to vector<16xf32>
    %swap3A_157 = arith.constant 80 : index
    %swap3A_158 = tpu.vector_load %arg10[%swap3A_157] {strides = array<i32>} : memref<128xf32, #tpu.memory_space<vmem>>, vector<16xf32>,
    %swap3A_159 = vector.shape_cast %swap3A_158 : vector<16xf32> to vector<16xf32>
    %swap3A_160 = vector.shape_cast %convert_element_type3A_156 : vector<16xf32> to vector<16xf32>
    tpu.vector_store %arg10[%swap3A_157], %swap3A_160 {strides = array<i32>} : memref<128xf32, #tpu.memory_space<vmem>>, vector<16xf32>,
    %convert_element_type3A_161 = arith.sitofp %scan3A_99#14 : vector<16xi32> to vector<16xf32>
    %swap3A_162 = arith.constant 96 : index
    %swap3A_163 = tpu.vector_load %arg10[%swap3A_162] {strides = array<i32>} : memref<128xf32, #tpu.memory_space<vmem>>, vector<16xf32>,
    %swap3A_164 = vector.shape_cast %swap3A_163 : vector<16xf32> to vector<16xf32>
    %swap3A_165 = vector.shape_cast %convert_element_type3A_161 : vector<16xf32> to vector<16xf32>
    tpu.vector_store %arg10[%swap3A_162], %swap3A_165 {strides = array<i32>} : memref<128xf32, #tpu.memory_space<vmem>>, vector<16xf32>,
    %convert_element_type3A_166 = arith.sitofp %scan3A_99#15 : vector<16xi32> to vector<16xf32>
    %swap3A_167 = arith.constant 112 : index
    %swap3A_168 = tpu.vector_load %arg10[%swap3A_167] {strides = array<i32>} : memref<128xf32, #tpu.memory_space<vmem>>, vector<16xf32>,
    %swap3A_169 = vector.shape_cast %swap3A_168 : vector<16xf32> to vector<16xf32>
    %swap3A_170 = vector.shape_cast %convert_element_type3A_166 : vector<16xf32> to vector<16xf32>
    tpu.vector_store %arg10[%swap3A_167], %swap3A_170 {strides = array<i32>} : memref<128xf32, #tpu.memory_space<vmem>>, vector<16xf32>,
    "tpu.region"() ({
      %run_scoped3A = tpu.sem_alloc : memref<!tpu.dma_semaphore, #tpu.memory_space<semaphore_mem>>
      %dma_start3A_171 = arith.constant 0 : i32
      %dma_start3A_172 = tpu.memref_slice %arg5[%add3A, %dma_start3A_171] : memref<32x128xf32, #tpu.memory_space<hbm>> -> memref<1x128xf32, #tpu.memory_space<hbm>>
      %dma_start3A_173 = tpu.memref_squeeze %dma_start3A_172 : memref<1x128xf32, #tpu.memory_space<hbm>> -> memref<128xf32, #tpu.memory_space<hbm>>
      %dma_start3A_174 = arith.constant 0 : i32
      %dma_start3A_175 = tpu.memref_slice %arg5[%add3A, %dma_start3A_174] : memref<32x128xf32, #tpu.memory_space<hbm>> -> memref<1x128xf32, #tpu.memory_space<hbm>>
      %dma_start3A_176 = tpu.memref_squeeze %dma_start3A_175 : memref<1x128xf32, #tpu.memory_space<hbm>> -> memref<128xf32, #tpu.memory_space<hbm>>
      tpu.enqueue_dma source(%arg10 : memref<128xf32, #tpu.memory_space<vmem>>) target(%dma_start3A_176 : memref<128xf32, #tpu.memory_space<hbm>>) target_semaphore(%run_scoped3A : memref<!tpu.dma_semaphore, #tpu.memory_space<semaphore_mem>>)
      %dma_wait3A_177 = arith.constant 0 : i32
      %dma_wait3A_178 = tpu.memref_slice %arg5[%add3A, %dma_wait3A_177] : memref<32x128xf32, #tpu.memory_space<hbm>> -> memref<1x128xf32, #tpu.memory_space<hbm>>
      %dma_wait3A_179 = tpu.memref_squeeze %dma_wait3A_178 : memref<1x128xf32, #tpu.memory_space<hbm>> -> memref<128xf32, #tpu.memory_space<hbm>>
      %dma_wait3A_180 = arith.constant 0 : i32
      %dma_wait3A_181 = tpu.memref_slice %arg5[%add3A, %dma_wait3A_180] : memref<32x128xf32, #tpu.memory_space<hbm>> -> memref<1x128xf32, #tpu.memory_space<hbm>>
      %dma_wait3A_182 = tpu.memref_squeeze %dma_wait3A_181 : memref<1x128xf32, #tpu.memory_space<hbm>> -> memref<128xf32, #tpu.memory_space<hbm>>
      tpu.wait_dma2 semaphore(%run_scoped3A : memref<!tpu.dma_semaphore, #tpu.memory_space<semaphore_mem>>) src(%arg10 : memref<128xf32, #tpu.memory_space<vmem>>) dst(%dma_wait3A_182 : memref<128xf32, #tpu.memory_space<hbm>>)
      tpu.yield
    }) : () -> ()
    return
  }
}

module attributes {stable_mosaic.version = 14 : i64} {
  func.func @_tca_body(%arg0: i32, %arg1: memref<8192x128xf32, #tpu.memory_space<vmem>>, %arg2: memref<8192x128xi32, #tpu.memory_space<vmem>>, %arg3: memref<8x128xf32, #tpu.memory_space<vmem>>, %arg4: memref<8x128xf32, #tpu.memory_space<vmem>>, %arg5: memref<8192x128xi8, #tpu.memory_space<vmem>>) attributes {dimension_semantics = [#tpu.dimension_semantics<arbitrary>], iteration_bounds = array<i64: 6>, scalar_prefetch = 0 : i64, scratch_operands = 0 : i64, tpu.core_type = #tpu.core_type<tc>, window_params = [{transform_indices = @transform_0, window_bounds = array<i64: 8192, 128>}, {transform_indices = @transform_1, window_bounds = array<i64: 8192, 128>}, {pipeline_mode = #tpu.pipeline_mode<synchronous>, transform_indices = @transform_2, window_bounds = array<i64: 8, 128>}, {pipeline_mode = #tpu.pipeline_mode<synchronous>, transform_indices = @transform_3, window_bounds = array<i64: 8, 128>}, {transform_indices = @transform_4, window_bounds = array<i64: 8192, 128>}]} {
    %eq3A = arith.constant 0 : i32
    %eq3A_0 = arith.cmpi eq, %arg0, %eq3A : i32
    %convert_element_type3A = arith.extui %eq3A_0 : i1 to i32
    %cond3A = arith.constant 0 : i32
    %cond3A_1 = arith.cmpi ne, %convert_element_type3A, %cond3A : i32
    scf.if %cond3A_1 {
      %broadcast_in_dim3A = arith.constant 0.000000e+00 : f32
      %broadcast_in_dim3A_28 = vector.broadcast %broadcast_in_dim3A : f32 to vector<8x128xf32>
      %swap3A_29 = arith.constant 0 : index
      %swap3A_30 = arith.constant 0 : index
      %swap3A_31 = vector.load %arg3[%swap3A_29, %swap3A_30] : memref<8x128xf32, #tpu.memory_space<vmem>>, vector<8x128xf32>
      tpu.vector_store %arg3[%swap3A_29, %swap3A_30], %broadcast_in_dim3A_28 {strides = array<i32>} : memref<8x128xf32, #tpu.memory_space<vmem>>, vector<8x128xf32>,
      %broadcast_in_dim3A_32 = arith.constant 0.000000e+00 : f32
      %broadcast_in_dim3A_33 = vector.broadcast %broadcast_in_dim3A_32 : f32 to vector<8x128xf32>
      %swap3A_34 = arith.constant 0 : index
      %swap3A_35 = arith.constant 0 : index
      %swap3A_36 = vector.load %arg4[%swap3A_34, %swap3A_35] : memref<8x128xf32, #tpu.memory_space<vmem>>, vector<8x128xf32>
      tpu.vector_store %arg4[%swap3A_34, %swap3A_35], %broadcast_in_dim3A_33 {strides = array<i32>} : memref<8x128xf32, #tpu.memory_space<vmem>>, vector<8x128xf32>,
    } else {
    }
    %get3A = arith.constant 0 : index
    %get3A_2 = arith.constant 0 : index
    %get3A_3 = vector.load %arg2[%get3A, %get3A_2] : memref<8192x128xi32, #tpu.memory_space<vmem>>, vector<8192x128xi32>
    %convert_element_type3A_4 = arith.trunci %get3A_3 : vector<8192x128xi32> to vector<8192x128xi8>
    %swap3A = arith.constant 0 : index
    %swap3A_5 = arith.constant 0 : index
    %swap3A_6 = vector.load %arg5[%swap3A, %swap3A_5] : memref<8192x128xi8, #tpu.memory_space<vmem>>, vector<8192x128xi8>
    tpu.vector_store %arg5[%swap3A, %swap3A_5], %convert_element_type3A_4 {strides = array<i32>} : memref<8192x128xi8, #tpu.memory_space<vmem>>, vector<8192x128xi8>,
    %convert_element_type3A_7 = arith.sitofp %get3A_3 : vector<8192x128xi32> to vector<8192x128xf32>
    %get3A_8 = arith.constant 0 : index
    %get3A_9 = arith.constant 0 : index
    %get3A_10 = vector.load %arg1[%get3A_8, %get3A_9] : memref<8192x128xf32, #tpu.memory_space<vmem>>, vector<8192x128xf32>
    %mul3A = arith.mulf %get3A_10, %convert_element_type3A_7 : vector<8192x128xf32>
    %get3A_11 = arith.constant 0 : index
    %get3A_12 = arith.constant 0 : index
    %get3A_13 = vector.load %arg3[%get3A_11, %get3A_12] : memref<8x128xf32, #tpu.memory_space<vmem>>, vector<8x128xf32>
    %reshape3A = vector.shape_cast %mul3A : vector<8192x128xf32> to vector<1024x8x128xf32>
    %reduce_sum3A = arith.constant dense<0.000000e+00> : vector<8x128xf32>
    %reduce_sum3A_14 = vector.multi_reduction <add>, %reshape3A, %reduce_sum3A [0] : vector<1024x8x128xf32> to vector<8x128xf32>
    %add3A = arith.addf %get3A_13, %reduce_sum3A_14 : vector<8x128xf32>
    %swap3A_15 = arith.constant 0 : index
    %swap3A_16 = arith.constant 0 : index
    %swap3A_17 = vector.load %arg3[%swap3A_15, %swap3A_16] : memref<8x128xf32, #tpu.memory_space<vmem>>, vector<8x128xf32>
    tpu.vector_store %arg3[%swap3A_15, %swap3A_16], %add3A {strides = array<i32>} : memref<8x128xf32, #tpu.memory_space<vmem>>, vector<8x128xf32>,
    %get3A_18 = arith.constant 0 : index
    %get3A_19 = arith.constant 0 : index
    %get3A_20 = vector.load %arg4[%get3A_18, %get3A_19] : memref<8x128xf32, #tpu.memory_space<vmem>>, vector<8x128xf32>
    %reshape3A_21 = vector.shape_cast %convert_element_type3A_7 : vector<8192x128xf32> to vector<1024x8x128xf32>
    %reduce_sum3A_22 = arith.constant dense<0.000000e+00> : vector<8x128xf32>
    %reduce_sum3A_23 = vector.multi_reduction <add>, %reshape3A_21, %reduce_sum3A_22 [0] : vector<1024x8x128xf32> to vector<8x128xf32>
    %add3A_24 = arith.addf %get3A_20, %reduce_sum3A_23 : vector<8x128xf32>
    %swap3A_25 = arith.constant 0 : index
    %swap3A_26 = arith.constant 0 : index
    %swap3A_27 = vector.load %arg4[%swap3A_25, %swap3A_26] : memref<8x128xf32, #tpu.memory_space<vmem>>, vector<8x128xf32>
    tpu.vector_store %arg4[%swap3A_25, %swap3A_26], %add3A_24 {strides = array<i32>} : memref<8x128xf32, #tpu.memory_space<vmem>>, vector<8x128xf32>,
    return
  }
  func.func @transform_0(%arg0: i32) -> (i32, i32) {
    %c0_i32 = arith.constant 0 : i32
    %c0_i32_0 = arith.constant 0 : i32
    return %arg0, %c0_i32 : i32, i32
  }
  func.func @transform_1(%arg0: i32) -> (i32, i32) {
    %c0_i32 = arith.constant 0 : i32
    %c0_i32_0 = arith.constant 0 : i32
    return %arg0, %c0_i32 : i32, i32
  }
  func.func @transform_2(%arg0: i32) -> (i32, i32) {
    %c0_i32 = arith.constant 0 : i32
    %c0_i32_0 = arith.constant 0 : i32
    %c0_i32_1 = arith.constant 0 : i32
    return %c0_i32, %c0_i32_0 : i32, i32
  }
  func.func @transform_3(%arg0: i32) -> (i32, i32) {
    %c0_i32 = arith.constant 0 : i32
    %c0_i32_0 = arith.constant 0 : i32
    %c0_i32_1 = arith.constant 0 : i32
    return %c0_i32, %c0_i32_0 : i32, i32
  }
  func.func @transform_4(%arg0: i32) -> (i32, i32) {
    %c0_i32 = arith.constant 0 : i32
    %c0_i32_0 = arith.constant 0 : i32
    return %arg0, %c0_i32 : i32, i32
  }
}

module attributes {stable_mosaic.version = 14 : i64} {
  func.func @_tcb_body(%arg0: i32, %arg1: memref<8192x128xf32, #tpu.memory_space<vmem>>, %arg2: memref<8192x128xi8, #tpu.memory_space<vmem>>, %arg3: memref<8192x128xi32, #tpu.memory_space<vmem>>, %arg4: memref<32x128xf32, #tpu.memory_space<vmem>>, %arg5: memref<32x128xf32, #tpu.memory_space<vmem>>, %arg6: memref<8x128xf32, #tpu.memory_space<vmem>>, %arg7: memref<8x128xf32, #tpu.memory_space<vmem>>, %arg8: memref<8192x128xf32, #tpu.memory_space<vmem>>, %arg9: memref<8192x128xf32, #tpu.memory_space<vmem>>) attributes {dimension_semantics = [#tpu.dimension_semantics<arbitrary>], iteration_bounds = array<i64: 8>, scalar_prefetch = 0 : i64, scratch_operands = 0 : i64, tpu.core_type = #tpu.core_type<tc>, window_params = [{transform_indices = @transform_0, window_bounds = array<i64: 8192, 128>}, {transform_indices = @transform_1, window_bounds = array<i64: 8192, 128>}, {transform_indices = @transform_2, window_bounds = array<i64: 8192, 128>}, {pipeline_mode = #tpu.pipeline_mode<synchronous>, transform_indices = @transform_3, window_bounds = array<i64: 32, 128>}, {pipeline_mode = #tpu.pipeline_mode<synchronous>, transform_indices = @transform_4, window_bounds = array<i64: 32, 128>}, {pipeline_mode = #tpu.pipeline_mode<synchronous>, transform_indices = @transform_5, window_bounds = array<i64: 8, 128>}, {pipeline_mode = #tpu.pipeline_mode<synchronous>, transform_indices = @transform_6, window_bounds = array<i64: 8, 128>}, {transform_indices = @transform_7, window_bounds = array<i64: 8192, 128>}, {transform_indices = @transform_8, window_bounds = array<i64: 8192, 128>}]} {
    %get3A = arith.constant 0 : index
    %get3A_0 = arith.constant 0 : index
    %get3A_1 = vector.load %arg4[%get3A, %get3A_0] : memref<32x128xf32, #tpu.memory_space<vmem>>, vector<32x128xf32>
    %reduce_sum3A = arith.constant dense<0.000000e+00> : vector<128xf32>
    %reduce_sum3A_2 = vector.multi_reduction <add>, %get3A_1, %reduce_sum3A [0] : vector<32x128xf32> to vector<128xf32>
    %get3A_3 = arith.constant 0 : index
    %get3A_4 = arith.constant 0 : index
    %get3A_5 = vector.load %arg6[%get3A_3, %get3A_4] : memref<8x128xf32, #tpu.memory_space<vmem>>, vector<8x128xf32>
    %reduce_sum3A_6 = arith.constant dense<0.000000e+00> : vector<128xf32>
    %reduce_sum3A_7 = vector.multi_reduction <add>, %get3A_5, %reduce_sum3A_6 [0] : vector<8x128xf32> to vector<128xf32>
    %add3A = arith.addf %reduce_sum3A_2, %reduce_sum3A_7 : vector<128xf32>
    %get3A_8 = arith.constant 0 : index
    %get3A_9 = arith.constant 0 : index
    %get3A_10 = vector.load %arg5[%get3A_8, %get3A_9] : memref<32x128xf32, #tpu.memory_space<vmem>>, vector<32x128xf32>
    %reduce_sum3A_11 = arith.constant dense<0.000000e+00> : vector<128xf32>
    %reduce_sum3A_12 = vector.multi_reduction <add>, %get3A_10, %reduce_sum3A_11 [0] : vector<32x128xf32> to vector<128xf32>
    %get3A_13 = arith.constant 0 : index
    %get3A_14 = arith.constant 0 : index
    %get3A_15 = vector.load %arg7[%get3A_13, %get3A_14] : memref<8x128xf32, #tpu.memory_space<vmem>>, vector<8x128xf32>
    %reduce_sum3A_16 = arith.constant dense<0.000000e+00> : vector<128xf32>
    %reduce_sum3A_17 = vector.multi_reduction <add>, %get3A_15, %reduce_sum3A_16 [0] : vector<8x128xf32> to vector<128xf32>
    %add3A_18 = arith.addf %reduce_sum3A_12, %reduce_sum3A_17 : vector<128xf32>
    %gt3A = arith.constant 0.000000e+00 : f32
    %gt3A_19 = vector.broadcast %gt3A : f32 to vector<128xf32>
    %gt3A_20 = arith.cmpf ogt, %add3A_18, %gt3A_19 : vector<128xf32>
    %max3A = arith.constant 1.000000e+00 : f32
    %max3A_21 = vector.broadcast %max3A : f32 to vector<128xf32>
    %max3A_22 = arith.maximumf %add3A_18, %max3A_21 : vector<128xf32>
    %div3A = arith.divf %add3A, %max3A_22 : vector<128xf32>
    %jit3A = arith.constant 0.000000e+00 : f32
    %broadcast_in_dim3A = vector.broadcast %jit3A : f32 to vector<128xf32>
    %select_n3A = arith.select %gt3A_20, %div3A, %broadcast_in_dim3A : vector<128xi1>, vector<128xf32>
    %lt3A = arith.constant 6 : i32
    %lt3A_23 = arith.cmpi slt, %arg0, %lt3A : i32
    %convert_element_type3A = arith.extui %lt3A_23 : i1 to i32
    %cond3A = arith.constant 0 : i32
    %cond3A_24 = arith.cmpi ne, %convert_element_type3A, %cond3A : i32
    scf.if %cond3A_24 {
      %get3A_29 = arith.constant 0 : index
      %get3A_30 = arith.constant 0 : index
      %get3A_31 = vector.load %arg2[%get3A_29, %get3A_30] : memref<8192x128xi8, #tpu.memory_space<vmem>>, vector<8192x128xi8>
      %ne3A = arith.constant 0 : i8
      %ne3A_32 = vector.broadcast %ne3A : i8 to vector<8192x128xi8>
      %ne3A_33 = arith.cmpi ne, %get3A_31, %ne3A_32 : vector<8192x128xi8>
      %get3A_34 = arith.constant 0 : index
      %get3A_35 = arith.constant 0 : index
      %get3A_36 = vector.load %arg1[%get3A_34, %get3A_35] : memref<8192x128xf32, #tpu.memory_space<vmem>>, vector<8192x128xf32>
      %broadcast_in_dim3A_37 = vector.shape_cast %select_n3A : vector<128xf32> to vector<1x128xf32>
      %broadcast_in_dim3A_38 = vector.shape_cast %broadcast_in_dim3A_37 : vector<1x128xf32> to vector<1x128xf32>
      %broadcast_in_dim3A_39 = vector.broadcast %broadcast_in_dim3A_38 : vector<1x128xf32> to vector<8192x128xf32>
      %select_n3A_40 = arith.select %ne3A_33, %get3A_36, %broadcast_in_dim3A_39 : vector<8192x128xi1>, vector<8192x128xf32>
      %swap3A = arith.constant 0 : index
      %swap3A_41 = arith.constant 0 : index
      %swap3A_42 = vector.load %arg8[%swap3A, %swap3A_41] : memref<8192x128xf32, #tpu.memory_space<vmem>>, vector<8192x128xf32>
      tpu.vector_store %arg8[%swap3A, %swap3A_41], %select_n3A_40 {strides = array<i32>} : memref<8192x128xf32, #tpu.memory_space<vmem>>, vector<8192x128xf32>,
      %swap3A_43 = arith.constant 0 : index
      %swap3A_44 = arith.constant 0 : index
      %swap3A_45 = vector.load %arg9[%swap3A_43, %swap3A_44] : memref<8192x128xf32, #tpu.memory_space<vmem>>, vector<8192x128xf32>
      tpu.vector_store %arg9[%swap3A_43, %swap3A_44], %select_n3A_40 {strides = array<i32>} : memref<8192x128xf32, #tpu.memory_space<vmem>>, vector<8192x128xf32>,
    } else {
    }
    %ge3A = arith.constant 6 : i32
    %ge3A_25 = arith.cmpi sge, %arg0, %ge3A : i32
    %convert_element_type3A_26 = arith.extui %ge3A_25 : i1 to i32
    %cond3A_27 = arith.constant 0 : i32
    %cond3A_28 = arith.cmpi ne, %convert_element_type3A_26, %cond3A_27 : i32
    scf.if %cond3A_28 {
      %get3A_29 = arith.constant 0 : index
      %get3A_30 = arith.constant 0 : index
      %get3A_31 = vector.load %arg3[%get3A_29, %get3A_30] : memref<8192x128xi32, #tpu.memory_space<vmem>>, vector<8192x128xi32>
      %ne3A = arith.constant 0 : i32
      %ne3A_32 = vector.broadcast %ne3A : i32 to vector<8192x128xi32>
      %ne3A_33 = arith.cmpi ne, %get3A_31, %ne3A_32 : vector<8192x128xi32>
      %get3A_34 = arith.constant 0 : index
      %get3A_35 = arith.constant 0 : index
      %get3A_36 = vector.load %arg1[%get3A_34, %get3A_35] : memref<8192x128xf32, #tpu.memory_space<vmem>>, vector<8192x128xf32>
      %broadcast_in_dim3A_37 = vector.shape_cast %select_n3A : vector<128xf32> to vector<1x128xf32>
      %broadcast_in_dim3A_38 = vector.shape_cast %broadcast_in_dim3A_37 : vector<1x128xf32> to vector<1x128xf32>
      %broadcast_in_dim3A_39 = vector.broadcast %broadcast_in_dim3A_38 : vector<1x128xf32> to vector<8192x128xf32>
      %select_n3A_40 = arith.select %ne3A_33, %get3A_36, %broadcast_in_dim3A_39 : vector<8192x128xi1>, vector<8192x128xf32>
      %swap3A = arith.constant 0 : index
      %swap3A_41 = arith.constant 0 : index
      %swap3A_42 = vector.load %arg8[%swap3A, %swap3A_41] : memref<8192x128xf32, #tpu.memory_space<vmem>>, vector<8192x128xf32>
      tpu.vector_store %arg8[%swap3A, %swap3A_41], %select_n3A_40 {strides = array<i32>} : memref<8192x128xf32, #tpu.memory_space<vmem>>, vector<8192x128xf32>,
      %swap3A_43 = arith.constant 0 : index
      %swap3A_44 = arith.constant 0 : index
      %swap3A_45 = vector.load %arg9[%swap3A_43, %swap3A_44] : memref<8192x128xf32, #tpu.memory_space<vmem>>, vector<8192x128xf32>
      tpu.vector_store %arg9[%swap3A_43, %swap3A_44], %select_n3A_40 {strides = array<i32>} : memref<8192x128xf32, #tpu.memory_space<vmem>>, vector<8192x128xf32>,
    } else {
    }
    return
  }
  func.func @transform_0(%arg0: i32) -> (i32, i32) {
    %c0_i32 = arith.constant 0 : i32
    %c0_i32_0 = arith.constant 0 : i32
    return %arg0, %c0_i32 : i32, i32
  }
  func.func @transform_1(%arg0: i32) -> (i32, i32) {
    %min3A = arith.constant 5 : i32
    %min3A_0 = arith.minsi %arg0, %min3A : i32
    %c0_i32 = arith.constant 0 : i32
    %c0_i32_1 = arith.constant 0 : i32
    return %min3A_0, %c0_i32 : i32, i32
  }
  func.func @transform_2(%arg0: i32) -> (i32, i32) {
    %max3A = arith.constant 6 : i32
    %max3A_0 = arith.maxsi %arg0, %max3A : i32
    %c0_i32 = arith.constant 0 : i32
    %c0_i32_1 = arith.constant 0 : i32
    return %max3A_0, %c0_i32 : i32, i32
  }
  func.func @transform_3(%arg0: i32) -> (i32, i32) {
    %c0_i32 = arith.constant 0 : i32
    %c0_i32_0 = arith.constant 0 : i32
    %c0_i32_1 = arith.constant 0 : i32
    return %c0_i32, %c0_i32_0 : i32, i32
  }
  func.func @transform_4(%arg0: i32) -> (i32, i32) {
    %c0_i32 = arith.constant 0 : i32
    %c0_i32_0 = arith.constant 0 : i32
    %c0_i32_1 = arith.constant 0 : i32
    return %c0_i32, %c0_i32_0 : i32, i32
  }
  func.func @transform_5(%arg0: i32) -> (i32, i32) {
    %c0_i32 = arith.constant 0 : i32
    %c0_i32_0 = arith.constant 0 : i32
    %c0_i32_1 = arith.constant 0 : i32
    return %c0_i32, %c0_i32_0 : i32, i32
  }
  func.func @transform_6(%arg0: i32) -> (i32, i32) {
    %c0_i32 = arith.constant 0 : i32
    %c0_i32_0 = arith.constant 0 : i32
    %c0_i32_1 = arith.constant 0 : i32
    return %c0_i32, %c0_i32_0 : i32, i32
  }
  func.func @transform_7(%arg0: i32) -> (i32, i32) {
    %c0_i32 = arith.constant 0 : i32
    %c0_i32_0 = arith.constant 0 : i32
    return %arg0, %c0_i32 : i32, i32
  }
  func.func @transform_8(%arg0: i32) -> (i32, i32) {
    %c0_i32 = arith.constant 0 : i32
    %c0_i32_0 = arith.constant 0 : i32
    return %arg0, %c0_i32 : i32, i32
  }
}

</mosaic_0001>

<sc_bundles>
// kernel: kernel.5.cloned.1.call-start
scs
__scs_entry_jumppad:
0x0: {  	(pc) =	sbr.rel $0x88, $3  }
0x1: {  	(tag) =	ssettag $0x0;
	lr =	simm.s32 $0x1  }
0x2: {  	[smem:$0x3F9F] =	sst lr;
	_ =	strace $0xD0000000  }
0x3: {  	_ = 	snop  }
0x4: {  	_ = 	snop  }
0x5: {  	_ = 	snop  }
0x6: {  	_ = 	snop  }
0x7: {  	_ = 	snop  }
__scs_overlays_trampoline_lowered:
0x8: {  	[smem:$0x3FAE] =	sst s0  }
0x9: {  	[smem:$0x3FAF] =	sst s1  }
0xa: {  	[smem:$0x3FB0] =	sst s2  }
0xb: {  	[smem:$0x3FB1] =	sst s3  }
0xc: {  	[smem:$0x3FB2] =	sst s4  }
0xd: {  	[smem:$0x3FB3] =	sst s5  }
0xe: {  	[smem:$0x3FB4] =	sst s6  }
0xf: {  	[smem:$0x3FB5] =	sst s7  }
0x10: {  	[smem:$0x3FB6] =	sst s8  }
0x11: {  	[smem:$0x3FB7] =	sst s9;
	s0 =	simm.s32 @!p0 $0x0  }
0x12: {  	s1 =	sld [smem:$0x3F9D];
	s0 =	simm.s32 @p0 $0x1  }
0x13: {  	[smem:$0x3FB8] =	sst s0;
	s0 =	simm.s32 @!p1 $0x0  }
0x14: {  	s2 =	sld [smem:$0x3F9C];
	s0 =	simm.s32 @p1 $0x1  }
0x15: {  	[smem:$0x3FB9] =	sst s0;
	s0 =	simm.s32 @!p2 $0x0  }
0x16: {  	s3 =	sld [smem:$0x3FDB];
	s0 =	simm.s32 @p2 $0x1  }
0x17: {  	s4 =	simm.s32 $0x1BF5;
	[smem:$0x3FBB] =	sst s0  }
0x18: {  	s0 =	sld [smem:$0x3F9E];
	_ =	swait.ge [sflag:s4], $0x0  }
0x19: {  	s7 =	sld [smem:$0x3F9F]  }
0x1a: {  	s8 =	sadd.s32 $0xFFFFE003, lr  }
0x1b: {  	s9 =	sadd.s32 $0xFFFFFEF7, lr;
	s5 =	simm.s32 $0xFFFFFFFF;
	p2 =	slt.u32 s8, $0xFFFFF086  }
0x1c: {  	p1 =	slt.u32 s9, $0xF7A;
	s5 =	simm.s32 @!p2 $0x0  }
0x1d: {  	s5 =	simm.s32 @p1 $0x1;
	p0 =	seq.s32 s7, s2  }
0x1e: {  	s7 =	smul.u32 @!p0 $0xF7A, s2;
	p2 =	seq.s32 @!p0 s5, $0x0  }
0x1f: {  	s9 =	smul.u32 $0xF7A, s1;
	s8 =	simm.s32 @!p0 $0x1BF5;
	p2 =	por !p2, p0  }
0x20: {  	[sflag:s8] =	ssyncset.s32 @!p0 $0xFFFFF086;
	s6 =	sadd.s32 @!p0 s3, s7;
	s7 =	simm.s32 @!p0 $0x108  }
0x21: {  	s3 =	sadd.s32 s3, s9;
	s6 =	sadd.s32 @!p0 $0x88, s6;
	s7 =	simm.s32 @p2 $0x1082  }
0x22: {  	[simem:s7], [sflag:s8] =	dma.local @!p0 [hbm:s6], $0xF7A  }
0x23: {  	s9 =	sor.u32 $0xD0000000, s2;
	s6 =	simm.s32 $0x108;
	_ =	swait.ge @!p0 [sflag:s8], $0x0  }
0x24: {  	s3 =	sadd.s32 $0x88, s3;
	s6 =	simm.s32 @!p1 $0x1082;
	[sflag:s4] =	ssyncset.s32 $0xFFFFF086  }
0x25: {  	[simem:s6], [sflag:s4] =	dma.local [hbm:s3], $0xF7A  }
0x26: {  	[smem:$0x3F9F] =	sst s1;
	(tag) =	ssettag s2;
	_ =	strace s9  }
0x27: {  	s1 =	sld [smem:$0x3FAF]  }
0x28: {  	s2 =	sld [smem:$0x3FB0]  }
0x29: {  	s4 =	sld [smem:$0x3FB2]  }
0x2a: {  	p0 =	seq.s32 s5, $0x0;
	s5 =	sld [smem:$0x3FB3]  }
0x2b: {  	s6 =	sld [smem:$0x3FB4]  }
0x2c: {  	s7 =	sld [smem:$0x3FB5]  }
0x2d: {  	s3 =	simm.s32 $0x108;
	s8 =	sld [smem:$0x3FB6]  }
0x2e: {  	s3 =	simm.s32 @!p0 $0x1082;
	s9 =	sld [smem:$0x3FB7]  }
0x2f: {  	lr =	sadd.s32 s0, s3;
	s0 =	sld [smem:$0x3FAE]  }
0x30: {  	s3 =	sld [smem:$0x3FB1]  }
0x31: {  	[smem:$0x3FBA] =	sst s10  }
0x32: {  	s10 =	sld [smem:$0x3FB8];
	_ =	sdelay $0x3  }
0x33: {  	p0 =	seq.s32 s10, $0x1;
	s10 =	sld [smem:$0x3FBA];
	_ =	sdelay $0x3  }
0x34: {  	[smem:$0x3FBA] =	sst s10  }
0x35: {  	s10 =	sld [smem:$0x3FB9];
	_ =	sdelay $0x3  }
0x36: {  	p1 =	seq.s32 s10, $0x1;
	s10 =	sld [smem:$0x3FBA];
	_ =	sdelay $0x3  }
0x37: {  	[smem:$0x3FBA] =	sst s10  }
0x38: {  	s10 =	sld [smem:$0x3FBB]  }
0x39: {  	_ = 	snop;
	(pc) =	sbr.ind lr, $3  }
0x3a: {  	_ = 	snop  }
0x3b: {  	_ = 	snop  }
0x3c: {  	p2 =	seq.s32 s10, $0x1;
	s10 =	sld [smem:$0x3FBA]  }
0x3d: {  	_ =	shalt  }
0x3e: {  	_ =	shalt  }
0x3f: {  	_ =	shalt  }
0x40: {  	_ =	shalt  }
0x41: {  	_ =	shalt  }
0x42: {  	_ =	shalt  }
0x43: {  	_ =	shalt  }
0x44: {  	_ =	shalt  }
0x45: {  	_ =	shalt  }
0x46: {  	_ =	shalt  }
0x47: {  	_ =	shalt  }
0x48: {  	_ =	shalt  }
0x49: {  	_ =	shalt  }
0x4a: {  	_ =	shalt  }
0x4b: {  	_ =	shalt  }
0x4c: {  	_ =	shalt  }
0x4d: {  	_ =	shalt  }
0x4e: {  	_ =	shalt  }
0x4f: {  	_ =	shalt  }
0x50: {  	_ =	shalt  }
0x51: {  	_ =	shalt  }
0x52: {  	_ =	shalt  }
0x53: {  	_ =	shalt  }
0x54: {  	_ =	shalt  }
0x55: {  	_ =	shalt  }
0x56: {  	_ =	shalt  }
0x57: {  	_ =	shalt  }
0x58: {  	_ =	shalt  }
0x59: {  	_ =	shalt  }
0x5a: {  	_ =	shalt  }
0x5b: {  	_ =	shalt  }
0x5c: {  	_ =	shalt  }
0x5d: {  	_ =	shalt  }
0x5e: {  	_ =	shalt  }
0x5f: {  	_ =	shalt  }
0x60: {  	_ =	shalt  }
0x61: {  	_ =	shalt  }
0x62: {  	_ =	shalt  }
0x63: {  	_ =	shalt  }
0x64: {  	_ =	shalt  }
0x65: {  	_ =	shalt  }
0x66: {  	_ =	shalt  }
0x67: {  	_ =	shalt  }
0x68: {  	_ =	shalt  }
0x69: {  	_ =	shalt  }
0x6a: {  	_ =	shalt  }
0x6b: {  	_ =	shalt  }
0x6c: {  	_ =	shalt  }
0x6d: {  	_ =	shalt  }
0x6e: {  	_ =	shalt  }
0x6f: {  	_ =	shalt  }
0x70: {  	_ =	shalt  }
0x71: {  	_ =	shalt  }
0x72: {  	_ =	shalt  }
0x73: {  	_ =	shalt  }
0x74: {  	_ =	shalt  }
0x75: {  	_ =	shalt  }
0x76: {  	_ =	shalt  }
0x77: {  	_ =	shalt  }
0x78: {  	_ =	shalt  }
0x79: {  	_ =	shalt  }
0x7a: {  	_ =	shalt  }
0x7b: {  	_ =	shalt  }
0x7c: {  	_ =	shalt  }
0x7d: {  	_ =	shalt  }
0x7e: {  	_ =	shalt  }
0x7f: {  	_ =	shalt  }
0x80: {  	_ =	shalt  }
0x81: {  	_ =	shalt  }
0x82: {  	_ =	shalt  }
0x83: {  	_ =	shalt  }
0x84: {  	_ =	shalt  }
0x85: {  	_ =	shalt  }
0x86: {  	_ =	shalt  }
0x87: {  	_ =	shalt  }
.Lfunc_end0:
.L_simem_size_0:
called_computation_lowered:
.L_overlay_start_0:
0x88: {  	s2 =	sld [smem:$0x3FD9]  }
0x89: {  	s3 =	sld [smem:$0x3FFE];
	_ =	sdelay $0x1  }
0x8a: {  	s1 =	srdreg.scid  }
0x8b: {  	s0 =	sand.u32 $0x1, s1  }
0x8c: {  	s15 =	sshll.u32 s0, $0xA;
	s2 =	sadd.s32 s3, s2  }
0x8d: {  	s2 =	sadd.s32 s2, s15  }
0x8e: {  	[smem:$0x3FC6] =	sst s2  }
0x8f: {  	_ = 	snop  }
0x90: {  	s2 =	sld [smem:$0x3FD0];
	_ =	sdelay $0x1  }
0x91: {  	s16 =	sld [smem:$0x3FC9]  }
0x92: {  	s5 =	simm.s32 $0xA;
	s6 =	simm.s32 $0x10;
	s4 =	sld [smem:$0x3FC8]  }
0x93: {  	[smem:s6], [sflag:s5] =	dma.local [hbm:s2], $0x1  }
0x94: {  	_ =	swait.eq [sflag:s5], $0x1  }
0x95: {  	[sflag:s5] =	ssyncset.done $0x0  }
0x96: {  	s17 =	sld [smem:$0x10];
	[sflag:s5] =	ssyncadd.s32 $0xFFFFFFFF  }
0x97: {  	s18 =	sld [smem:$0x11];
	(tm) =	ssettm $0x1  }
0x98: {  	s19 =	sld [smem:$0x3FFB];
	_ =	sdelay $0x3  }
0x99: {  	_ =	strace s19  }
0x9a: {  	s6 =	sld [smem:$0x3FFC];
	_ =	sdelay $0x3  }
0x9b: {  	_ =	strace s6  }
0x9c: {  	s6 =	sld [smem:$0x3FFD];
	_ =	sdelay $0x3  }
0x9d: {  	_ =	strace s6  }
0x9e: {  	_ =	strace $0x8FFFFFFF  }
0x9f: {  	s20 =	sld [smem:$0x3FDB];
	_ =	sdelay $0x1  }
0xa0: {  	s7 =	simm.s32 $_scs_section_size  }
0xa1: {  	s8 =	simm.s32 $_size__tile_overlayer_lowered;
	s9 =	simm.s32 $_tile_overlayer_lowered  }
0xa2: {  	s23 =	simm.s32 $0x1BFF;
	s22 =	sshll.u32 s9, $0x1;
	s6 =	sadd.s32 s7, s20  }
0xa3: {  	s10 =	simm.s32 $0x0;
	s21 =	sshll.u32 s8, $0x1;
	s8 =	sadd.s32 s22, s6  }
0xa4: {  	[timem:s10], [sflag:s23] =	dma.local [hbm:s8], s21  }
0xa5: {  	_ =	swait.ge [sflag:s23], s21  }
0xa6: {  	s7 =	ssub.s32 $0x0, s21;
	[sflag:s23] =	ssyncset.done $0x0  }
0xa7: {  	[sflag:s23] =	ssyncadd.s32 s7;
	_ =	sdelay $0x1  }
0xa8: {  	s24 =	simm.s32 $0x1B8B  }
0xa9: {  	_ =	swait.ge [sflag:s24], $0x1  }
0xaa: {  	[sflag:s24] =	ssyncset.done $0x0  }
0xab: {  	s25 =	simm.s32 $0x1B8E;
	[sflag:s24] =	ssyncadd.s32 $0xFFFFFFFF  }
0xac: {  	s26 =	simm.s32 $execute0_lowered;
	[smem:$0x3FD2] =	sst s25  }
0xad: {  	s7 =	sshll.u32 s26, $0x1;
	_ =	strace $0x80000046;
	[dreg:$0x1] =	wrdreg $0xFFFFFFFF  }
0xae: {  	s28 =	simm.s32 $_size_execute0_lowered;
	s6 =	sadd.s32 s6, s7;
	[dreg:$0x0] =	wrdreg $0x0  }
0xaf: {  	s7 =	sshll.u32 s28, $0x1;
	[dreg:$0x2] =	wrdreg s6  }
0xb0: {  	[dreg:$0x3] =	wrdreg s7  }
0xb1: {  	[dreg:$0x4] =	wrdreg $0xC0  }
0xb2: {  	_ =	task [dreg:s10], $0x5FFFF  }
0xb3: {  	[dreg:$0x1] =	wrdreg $0xFFFFFFFF  }
0xb4: {  	[dreg:$0x0] =	wrdreg $0x60  }
0xb5: {  	[dreg:$0x2] =	wrdreg s16  }
0xb6: {  	[dreg:$0x3] =	wrdreg s4  }
0xb7: {  	[dreg:$0x4] =	wrdreg s18  }
0xb8: {  	[dreg:$0x5] =	wrdreg s17  }
0xb9: {  	[dreg:$0x6] =	wrdreg $0x9  }
0xba: {  	_ =	task.clear_ibuf [dreg:s10], $0x7FFFF;
	_ =	strace $0x90000046  }
0xbb: {  	s29 =	simm.s32 $0x9;
	_ =	strace $0x80000048  }
0xbc: {  	_ =	swait.ge [sflag:s29], $0x1  }
0xbd: {  	[sflag:s29] =	ssyncadd.s32 $0xFFFFFFFF  }
0xbe: {  	_ =	strace $0x90000048  }
0xbf: {  	_ =	sfence  }
0xc0: {  	s30 =	sld [smem:$0x0];
	_ =	sdelay $0x2  }
0xc1: {  	s31 =	sshll.u32 s1, $0xD;
	s1 =	sshrl.u32 s1, $0x2  }
0xc2: {  	s3 =	sand.u32 $0x4000, s31;
	s1 =	sadd.s32 s1, s30  }
0xc3: {  	s0 =	sor.u32 s3, s0;
	s1 =	sshll.u32 s1, $0x11  }
0xc4: {  	s0 =	sor.u32 s1, s0  }
0xc5: {  	s0 =	sadd.s32 $0x8F2B, s0  }
0xc6: {  	[sflag:s0] =	ssyncadd.remote.s32 $0x1  }
0xc7: {  	_ =	sfence.sel $0xFFFF  }
0xc8: {  	[dreg:$0x0] =	wrdreg $0xFFFFFFFF;
	(pc) =	sbr.abs _section_cstart, $3  }
0xc9: {  	[dreg:$0x1] =	wrdreg $0xFFFFFFFF  }
0xca: {  	_ =	task.clear_ibuf [dreg:s10], $0x2FFFF;
	_ =	strace $0x9FFFFFFF  }
0xcb: {  	(tm) =	ssettm $0x7FFFFFFF  }
tec
execute0_lowered:
.L_overlay_start_1:
0x0: {  	(tag) =	ssettag $0x1  }
0x1: {  	s9 =	rddreg [dreg:$0x0]  }
0x2: {  	s10 =	rddreg [dreg:$0x1]  }
0x3: {  	s11 =	rddreg [dreg:$0x2]  }
0x4: {  	s0 =	srdreg.scid;
	s12 =	rddreg [dreg:$0x3]  }
0x5: {  	s1 =	stileid.u32;
	s2 =	simm.s32 $0x0;
	s17 =	simm.s32 $0x1  }
0x6: {  	s18 =	simm.s32 $0x3;
	s19 =	simm.s32 $0x2;
	s20 =	simm.s32 $0x4  }
0x7: {  	s21 =	simm.s32 $0x10000;
	s3 =	sand.u32 $0x1, s0;
	s0 =	rddreg [dreg:$0x4]  }
0x8: {  	s22 =	simm.s32 $0x5;
	s23 =	simm.s32 $0x0;
	[smem:$0x7FF] =	sst s2  }
0x9: {  	s16 =	sshll.u32 s1, $0x4;
	s4 =	sshll.u32 s3, $0x4;
	s3 =	ssub.s32 $0x2, s3  }
0xa: {  	_ =	strace $0x80000047;
	s7 =	sor.u32 s1, s4;
	s31 =	sshrl.u32 s3, $0x1  }
0xb: {  	s16 =	sand.u32 $0x70, s16;
	s13 =	sshll.u32 s7, $0xD;
	s14 =	ssub.s32 s3, s31  }
0xc: {  	s15 =	sshll.u32 s7, $0x4;
	s5 =	sor.u32 $0xC0000, s13;
	s6 =	sor.u32 $0xC0800, s13  }
0xd: {  	s8 =	sor.u32 $0xC1000, s13;
	s15 =	sand.u32 $0x180, s15;
	s13 =	sor.u32 $0xC1800, s13  }
0xe: {  	s3 =	sadd.s32 s9, s5;
	s4 =	sadd.s32 s10, s5;
	s5 =	sadd.s32 s9, s6  }
0xf: {  	s6 =	sadd.s32 s10, s6;
	s7 =	sadd.s32 s9, s8;
	s8 =	sadd.s32 s10, s8  }
0x10: {  	s15 =	sor.u32 s16, s15;
	s9 =	sadd.s32 s9, s13;
	s10 =	sadd.s32 s10, s13  }
0x11: {  	s13 =	smax.u32 s14, $0x1;
	s14 =	simm.s32 $0x8000;
	s16 =	simm.s32 $0xC000  }
0x12: {  	s11 =	sadd.s32 s11, s15;
	s12 =	sadd.s32 s12, s15;
	s15 =	simm.s32 $0x4000  }
.LBB2_1:
0x13: {  	[tilespmem:s2], [sflag:$0x1] =	stream.linear.gather [hbm4b:s3+s2], $0x4000, $0x38;
	[tilespmem:$0x10080] =	vst v63  }
0x14: {  	_ = 	snop  }
0x15: {  	[tilespmem:s14], [sflag:$0x3] =	stream.linear.gather [hbm4b:s4+s2], $0x4000, $0x38;
	[tilespmem:$0x10080] =	vst v63  }
0x16: {  	_ = 	snop  }
0x17: {  	[tilespmem:s15], [sflag:$0x2] =	stream.linear.gather [hbm4b:s5+s2], $0x4000, $0x38;
	[tilespmem:$0x10080] =	vst v63  }
0x18: {  	_ = 	snop  }
0x19: {  	[tilespmem:s16], [sflag:$0x4] =	stream.linear.gather [hbm4b:s6+s2], $0x4000, $0x38;
	[tilespmem:$0x10080] =	vst v63  }
0x1a: {  	_ =	swait.ge [sflag:s17], $0x4000  }
0x1b: {  	[sflag:s17] =	ssyncset.done $0x0  }
0x1c: {  	[sflag:s17] =	ssyncadd.s32 $0xFFFFC000  }
0x1d: {  	_ =	swait.ge [sflag:s18], $0x4000  }
0x1e: {  	[sflag:s18] =	ssyncset.done $0x0  }
0x1f: {  	s26 =	simm.s32 $0x0;
	[sflag:s18] =	ssyncadd.s32 $0xFFFFC000  }
0x20: {  	v0 =	vld [tilespmem:s26+$0x8070]  }
0x21: {  	v1 =	vld [tilespmem:s26+$0x8000]  }
0x22: {  	v2 =	vld [tilespmem:s26+$0x70]  }
0x23: {  	v3 =	vld [tilespmem:s26+$0x8010]  }
0x24: {  	v4 =	vld [tilespmem:s26+$0x8020]  }
0x25: {  	v10 =	vld [tilespmem:s26+$0x8030]  }
0x26: {  	v11 =	vld [tilespmem:s26+$0x8040]  }
0x27: {  	v12 =	vld [tilespmem:s26+$0x8050]  }
0x28: {  	v13 =	vimm.s32 $0x0;
	v14 =	vld [tilespmem:s26+$0x8060]  }
0x29: {  	v9 =	vimm.f32 $0.0e+00;
	v15 =	vld [tilespmem:s26+$0x0];
	v5 =	vcvt.s32.f32 v0;
	v8 =	vadd.s32 v13, v0  }
0x2a: {  	v25 =	vld [tilespmem:s26+$0x10];
	v24 =	vcvt.s32.f32 v1;
	v7 =	vadd.s32 v13, v1;
	v26 =	vcvt.s32.f32 v3  }
0x2b: {  	v17 =	vcvt.s32.f32 v4;
	v6 =	vadd.s32 v13, v4;
	v18 =	vcvt.s32.f32 v10  }
0x2c: {  	v4 =	vadd.s32 v13, v10;
	v20 =	vcvt.s32.f32 v11;
	v19 =	vcvt.s32.f32 v12  }
0x2d: {  	v21 =	vld [tilespmem:s26+$0x20];
	v1 =	vadd.s32 v13, v12;
	v16 =	vcvt.s32.f32 v14;
	v12 =	vimm.f32 $0.0e+00  }
0x2e: {  	v22 =	vld [tilespmem:s26+$0x30];
	v10 =	vimm.f32 $0.0e+00;
	v0 =	vmul.f32 v5, v2;
	v5 =	vadd.s32 v13, v3  }
0x2f: {  	v23 =	vld [tilespmem:s26+$0x40];
	v2 =	vadd.s32 v13, v11;
	v27 =	vmul.f32 v24, v15;
	v26 =	vmul.f32 v26, v25  }
0x30: {  	v25 =	vld [tilespmem:s26+$0x50];
	v15 =	vimm.f32 $0.0e+00;
	v11 =	vimm.f32 $0.0e+00;
	v3 =	vadd.f32 v0, v9  }
0x31: {  	s24 =	simm.s32 $0x80;
	s25 =	simm.s32 $0x400;
	v24 =	vld [tilespmem:s26+$0x60];
	v0 =	vadd.s32 v13, v14;
	v13 =	vimm.f32 $0.0e+00;
	v14 =	vimm.f32 $0.0e+00  }
.LBB2_2:
0x32: {  	p0 =	sne.s32 s25, $0xFE00;
	v28 =	vld [tilespmem:s24+$0x8070];
	v9 =	vadd.f32 v27, v9;
	v17 =	vmul.f32 v17, v21  }
0x33: {  	v21 =	vld [tilespmem:s24+$0x8000];
	v13 =	vadd.f32 v26, v13;
	v18 =	vmul.f32 v18, v22  }
0x34: {  	v22 =	vld [tilespmem:s24+$0x70];
	v14 =	vadd.f32 v17, v14;
	v17 =	vmul.f32 v20, v23  }
0x35: {  	v20 =	vld [tilespmem:s24+$0x8010];
	v12 =	vadd.f32 v18, v12;
	v18 =	vmul.f32 v19, v25  }
0x36: {  	v19 =	vld [tilespmem:s24+$0x8020];
	v15 =	vadd.f32 v17, v15;
	v16 =	vmul.f32 v16, v24  }
0x37: {  	v23 =	vld [tilespmem:s24+$0x8030];
	v17 =	vcvt.s32.f32 v28;
	v8 =	vadd.s32 v8, v28;
	v11 =	vadd.f32 v18, v11  }
0x38: {  	v24 =	vcvt.s32.f32 v21;
	v7 =	vadd.s32 v7, v21;
	v25 =	vld [tilespmem:s24+$0x8040];
	v10 =	vadd.f32 v16, v10  }
0x39: {  	v16 =	vld [tilespmem:s24+$0x8050];
	v18 =	vmul.f32 v17, v22  }
0x3a: {  	v26 =	vcvt.s32.f32 v20;
	v5 =	vadd.s32 v5, v20;
	v27 =	vld [tilespmem:s24+$0x8060]  }
0x3b: {  	v28 =	vld [tilespmem:s24+$0x0];
	v17 =	vcvt.s32.f32 v19;
	v6 =	vadd.s32 v6, v19;
	v3 =	vadd.f32 v18, v3  }
0x3c: {  	v29 =	vld [tilespmem:s24+$0x10];
	v18 =	vcvt.s32.f32 v23;
	v4 =	vadd.s32 v4, v23  }
.Ltmp0:
0x3d: {  	v21 =	vld [tilespmem:s24+$0x20];
	v20 =	vcvt.s32.f32 v25;
	v2 =	vadd.s32 v2, v25;
	(pc) =	sbr.rel @p0 .LBB2_2-.Ltmp0, $4  }
0x3e: {  	v22 =	vld [tilespmem:s24+$0x30];
	v19 =	vcvt.s32.f32 v16;
	v1 =	vadd.s32 v1, v16  }
0x3f: {  	v23 =	vld [tilespmem:s24+$0x40];
	v16 =	vcvt.s32.f32 v27;
	v0 =	vadd.s32 v0, v27  }
0x40: {  	v27 =	vmul.f32 v24, v28;
	v25 =	vld [tilespmem:s24+$0x50]  }
0x41: {  	v26 =	vmul.f32 v26, v29;
	v24 =	vld [tilespmem:s24+$0x60];
	s24 =	sshra.s32 s25, $0x2;
	s25 =	sadd.s32 $0x200, s25  }
0x42: {  	v28 =	vld [tilespmem:s24+$0x8070]  }
0x43: {  	v29 =	vld [tilespmem:s24+$0x8000]  }
0x44: {  	v30 =	vld [tilespmem:s24+$0x70]  }
0x45: {  	v31 =	vld [tilespmem:s24+$0x8010]  }
0x46: {  	v32 =	vld [tilespmem:s24+$0x8020]  }
0x47: {  	v33 =	vld [tilespmem:s24+$0x8030]  }
0x48: {  	v34 =	vld [tilespmem:s24+$0x8040]  }
0x49: {  	v35 =	vld [tilespmem:s24+$0x8050]  }
0x4a: {  	v36 =	vld [tilespmem:s24+$0x8060]  }
0x4b: {  	v37 =	vld [tilespmem:s24+$0x0]  }
0x4c: {  	v38 =	vld [tilespmem:s24+$0x10]  }
0x4d: {  	v39 =	vld [tilespmem:s24+$0x20]  }
0x4e: {  	v40 =	vld [tilespmem:s24+$0x30]  }
0x4f: {  	v41 =	vld [tilespmem:s24+$0x40]  }
0x50: {  	v42 =	vld [tilespmem:s24+$0x50];
	s31 =	simm.s32 $0x0  }
0x51: {  	v43 =	vld [tilespmem:s24+$0x60];
	[tilespmem:s31], [sflag:$0x1] =	stream.linear.gather [hbm4b:s7+s31], $0x4000, $0x38  }
0x52: {  	_ = 	snop  }
0x53: {  	[tilespmem:s14], [sflag:$0x3] =	stream.linear.gather [hbm4b:s8+s31], $0x4000, $0x38;
	[tilespmem:$0x10080] =	vst v63  }
0x54: {  	v17 =	vmul.f32 v17, v21;
	_ =	swait.ge [sflag:s19], $0x4000  }
0x55: {  	v9 =	vadd.f32 v27, v9;
	v18 =	vmul.f32 v18, v22;
	v20 =	vmul.f32 v20, v23;
	[sflag:s19] =	ssyncset.done $0x0  }
0x56: {  	v13 =	vadd.f32 v26, v13;
	v14 =	vadd.f32 v17, v14;
	v17 =	vmul.f32 v19, v25;
	[sflag:s19] =	ssyncadd.s32 $0xFFFFC000  }
0x57: {  	v12 =	vadd.f32 v18, v12;
	v15 =	vadd.f32 v20, v15;
	v18 =	vcvt.s32.f32 v28;
	_ =	swait.ge [sflag:s20], $0x4000  }
0x58: {  	v16 =	vmul.f32 v16, v24;
	v8 =	vadd.s32 v8, v28;
	v11 =	vadd.f32 v17, v11;
	[sflag:s20] =	ssyncset.done $0x0  }
0x59: {  	s26 =	simm.s32 $0x0;
	v7 =	vadd.s32 v7, v29;
	v5 =	vadd.s32 v5, v31;
	v17 =	vmul.f32 v18, v30;
	[sflag:s20] =	ssyncadd.s32 $0xFFFFC000  }
0x5a: {  	v20 =	vadd.s32 v6, v32;
	v6 =	vcvt.s32.f32 v32;
	v18 =	vcvt.s32.f32 v29;
	v19 =	vld [tilespmem:s26+$0xC070]  }
0x5b: {  	v4 =	vadd.s32 v4, v33;
	v21 =	vcvt.s32.f32 v33;
	v22 =	vadd.f32 v17, v3;
	v17 =	vld [tilespmem:s26+$0xC000]  }
0x5c: {  	v10 =	vadd.f32 v16, v10;
	v16 =	vcvt.s32.f32 v31;
	v3 =	vmul.f32 v18, v37;
	v18 =	vld [tilespmem:s26+$0x4070]  }
0x5d: {  	v2 =	vadd.s32 v2, v34;
	v23 =	vcvt.s32.f32 v34;
	v25 =	vadd.s32 v1, v35;
	v24 =	vld [tilespmem:s26+$0xC010]  }
0x5e: {  	v26 =	vcvt.s32.f32 v35;
	v28 =	vadd.s32 v0, v36;
	v16 =	vmul.f32 v16, v38;
	v27 =	vld [tilespmem:s26+$0xC020]  }
0x5f: {  	v0 =	vcvt.s32.f32 v36;
	v6 =	vmul.f32 v6, v39;
	v29 =	vld [tilespmem:s26+$0xC030];
	v1 =	vadd.f32 v3, v9  }
0x60: {  	v59 =	vld [tilespmem:s26+$0xC060];
	v3 =	vadd.f32 v16, v13;
	v13 =	vmul.f32 v21, v40;
	v16 =	vmul.f32 v23, v41  }
0x61: {  	v0 =	vmul.f32 v0, v43;
	v23 =	vld [tilespmem:s26+$0xC040];
	v9 =	vadd.f32 v6, v14;
	v6 =	vmul.f32 v26, v42  }
0x62: {  	v26 =	vld [tilespmem:s26+$0xC050];
	v12 =	vadd.f32 v13, v12;
	v13 =	vadd.f32 v16, v15;
	v16 =	vcvt.s32.f32 v19  }
0x63: {  	v0 =	vadd.f32 v0, v10;
	v60 =	vld [tilespmem:s26+$0x4000];
	v6 =	vadd.f32 v6, v11;
	v15 =	vadd.s32 v8, v19  }
0x64: {  	v62 =	vld [tilespmem:s26+$0x4010];
	v61 =	vcvt.s32.f32 v17;
	v14 =	vadd.s32 v7, v17;
	v8 =	vmul.f32 v16, v18  }
0x65: {  	v21 =	vld [tilespmem:s26+$0x4020];
	v63 =	vcvt.s32.f32 v24;
	v7 =	vadd.s32 v5, v24;
	v17 =	vcvt.s32.f32 v27  }
0x66: {  	v10 =	vadd.s32 v20, v27;
	v11 =	vadd.s32 v4, v29;
	v8 =	vadd.f32 v8, v22;
	v22 =	vld [tilespmem:s26+$0x4030]  }
0x67: {  	v20 =	vcvt.s32.f32 v23;
	v5 =	vadd.s32 v2, v23;
	v23 =	vld [tilespmem:s26+$0x4040];
	v19 =	vcvt.s32.f32 v26  }
0x68: {  	v4 =	vadd.s32 v25, v26;
	v25 =	vld [tilespmem:s26+$0x4050];
	v18 =	vcvt.s32.f32 v29;
	v27 =	vmul.f32 v61, v60  }
0x69: {  	s24 =	simm.s32 $0x80;
	s25 =	simm.s32 $0x400;
	v24 =	vld [tilespmem:s26+$0x4060];
	v2 =	vadd.s32 v28, v59;
	v16 =	vcvt.s32.f32 v59;
	v26 =	vmul.f32 v63, v62  }
.LBB2_4:
0x6a: {  	p0 =	sne.s32 s25, $0xFE00;
	v28 =	vld [tilespmem:s24+$0xC070];
	v1 =	vadd.f32 v27, v1;
	v17 =	vmul.f32 v17, v21  }
0x6b: {  	v21 =	vld [tilespmem:s24+$0xC000];
	v3 =	vadd.f32 v26, v3;
	v18 =	vmul.f32 v18, v22  }
0x6c: {  	v22 =	vld [tilespmem:s24+$0x4070];
	v9 =	vadd.f32 v17, v9;
	v17 =	vmul.f32 v20, v23  }
0x6d: {  	v20 =	vld [tilespmem:s24+$0xC010];
	v12 =	vadd.f32 v18, v12;
	v18 =	vmul.f32 v19, v25  }
0x6e: {  	v19 =	vld [tilespmem:s24+$0xC020];
	v13 =	vadd.f32 v17, v13;
	v16 =	vmul.f32 v16, v24  }
0x6f: {  	v23 =	vld [tilespmem:s24+$0xC030];
	v17 =	vcvt.s32.f32 v28;
	v15 =	vadd.s32 v15, v28;
	v6 =	vadd.f32 v18, v6  }
0x70: {  	v24 =	vcvt.s32.f32 v21;
	v14 =	vadd.s32 v14, v21;
	v25 =	vld [tilespmem:s24+$0xC040];
	v0 =	vadd.f32 v16, v0  }
0x71: {  	v16 =	vld [tilespmem:s24+$0xC050];
	v18 =	vmul.f32 v17, v22  }
0x72: {  	v26 =	vcvt.s32.f32 v20;
	v7 =	vadd.s32 v7, v20;
	v27 =	vld [tilespmem:s24+$0xC060]  }
0x73: {  	v28 =	vld [tilespmem:s24+$0x4000];
	v17 =	vcvt.s32.f32 v19;
	v10 =	vadd.s32 v10, v19;
	v8 =	vadd.f32 v18, v8  }
0x74: {  	v29 =	vld [tilespmem:s24+$0x4010];
	v18 =	vcvt.s32.f32 v23;
	v11 =	vadd.s32 v11, v23  }
.Ltmp1:
0x75: {  	v21 =	vld [tilespmem:s24+$0x4020];
	v20 =	vcvt.s32.f32 v25;
	v5 =	vadd.s32 v5, v25;
	(pc) =	sbr.rel @p0 .LBB2_4-.Ltmp1, $4  }
0x76: {  	v22 =	vld [tilespmem:s24+$0x4030];
	v19 =	vcvt.s32.f32 v16;
	v4 =	vadd.s32 v4, v16  }
0x77: {  	v23 =	vld [tilespmem:s24+$0x4040];
	v16 =	vcvt.s32.f32 v27;
	v2 =	vadd.s32 v2, v27  }
0x78: {  	v27 =	vmul.f32 v24, v28;
	v25 =	vld [tilespmem:s24+$0x4050]  }
0x79: {  	v26 =	vmul.f32 v26, v29;
	v24 =	vld [tilespmem:s24+$0x4060];
	s24 =	sshra.s32 s25, $0x2;
	s25 =	sadd.s32 $0x200, s25  }
0x7a: {  	v28 =	vld [tilespmem:s24+$0xC070]  }
0x7b: {  	v29 =	vld [tilespmem:s24+$0xC000]  }
0x7c: {  	v30 =	vld [tilespmem:s24+$0x4070]  }
0x7d: {  	v31 =	vld [tilespmem:s24+$0xC010]  }
0x7e: {  	v32 =	vld [tilespmem:s24+$0xC020]  }
0x7f: {  	v33 =	vld [tilespmem:s24+$0xC030]  }
0x80: {  	v34 =	vld [tilespmem:s24+$0xC040]  }
0x81: {  	v35 =	vld [tilespmem:s24+$0xC050]  }
0x82: {  	v36 =	vld [tilespmem:s24+$0xC060]  }
0x83: {  	v37 =	vld [tilespmem:s24+$0x4000]  }
0x84: {  	v38 =	vld [tilespmem:s24+$0x4010]  }
0x85: {  	v39 =	vld [tilespmem:s24+$0x4020]  }
0x86: {  	v40 =	vld [tilespmem:s24+$0x4030]  }
0x87: {  	v41 =	vld [tilespmem:s24+$0x4040]  }
0x88: {  	v42 =	vld [tilespmem:s24+$0x4050];
	s31 =	simm.s32 $0x0  }
0x89: {  	v43 =	vld [tilespmem:s24+$0x4060];
	[tilespmem:s15], [sflag:$0x2] =	stream.linear.gather [hbm4b:s9+s31], $0x4000, $0x38  }
0x8a: {  	_ = 	snop  }
0x8b: {  	[tilespmem:s16], [sflag:$0x4] =	stream.linear.gather [hbm4b:s10+s31], $0x4000, $0x38;
	[tilespmem:$0x10080] =	vst v63  }
0x8c: {  	v17 =	vmul.f32 v17, v21;
	_ =	swait.ge [sflag:s17], $0x4000  }
0x8d: {  	v1 =	vadd.f32 v27, v1;
	v18 =	vmul.f32 v18, v22;
	v20 =	vmul.f32 v20, v23;
	[sflag:s17] =	ssyncset.done $0x0  }
0x8e: {  	v3 =	vadd.f32 v26, v3;
	v9 =	vadd.f32 v17, v9;
	v17 =	vmul.f32 v19, v25;
	[sflag:s17] =	ssyncadd.s32 $0xFFFFC000  }
0x8f: {  	v12 =	vadd.f32 v18, v12;
	v13 =	vadd.f32 v20, v13;
	v18 =	vcvt.s32.f32 v28;
	_ =	swait.ge [sflag:s18], $0x4000  }
0x90: {  	v16 =	vmul.f32 v16, v24;
	v15 =	vadd.s32 v15, v28;
	v20 =	vcvt.s32.f32 v32;
	[sflag:s18] =	ssyncset.done $0x0  }
0x91: {  	s26 =	simm.s32 $0x0;
	v6 =	vadd.f32 v17, v6;
	v21 =	vcvt.s32.f32 v33;
	v17 =	vmul.f32 v18, v30;
	[sflag:s18] =	ssyncadd.s32 $0xFFFFC000  }
0x92: {  	v14 =	vadd.s32 v14, v29;
	v23 =	vcvt.s32.f32 v34;
	v25 =	vcvt.s32.f32 v35;
	v19 =	vld [tilespmem:s26+$0x8070]  }
0x93: {  	v0 =	vadd.f32 v16, v0;
	v16 =	vcvt.s32.f32 v31;
	v8 =	vadd.f32 v17, v8;
	v17 =	vld [tilespmem:s26+$0x8000]  }
0x94: {  	v7 =	vadd.s32 v7, v31;
	v18 =	vcvt.s32.f32 v29;
	v20 =	vmul.f32 v20, v39;
	v22 =	vld [tilespmem:s26+$0x70]  }
0x95: {  	v10 =	vadd.s32 v10, v32;
	v26 =	vcvt.s32.f32 v36;
	v16 =	vmul.f32 v16, v38;
	v24 =	vld [tilespmem:s26+$0x8010]  }
0x96: {  	v18 =	vmul.f32 v18, v37;
	v9 =	vadd.f32 v20, v9;
	v20 =	vmul.f32 v25, v42;
	v27 =	vld [tilespmem:s26+$0x8030]  }
0x97: {  	v3 =	vadd.f32 v16, v3;
	v16 =	vmul.f32 v21, v40;
	v21 =	vmul.f32 v23, v41;
	v23 =	vld [tilespmem:s26+$0x8040]  }
0x98: {  	v11 =	vadd.s32 v11, v33;
	v5 =	vadd.s32 v5, v34;
	v25 =	vmul.f32 v26, v43;
	v26 =	vld [tilespmem:s26+$0x8050]  }
0x99: {  	v4 =	vadd.s32 v4, v35;
	v28 =	vld [tilespmem:s26+$0x8060];
	v1 =	vadd.f32 v18, v1;
	v6 =	vadd.f32 v20, v6  }
0x9a: {  	v2 =	vadd.s32 v2, v36;
	v18 =	vld [tilespmem:s26+$0x8020];
	v0 =	vadd.f32 v25, v0;
	v12 =	vadd.f32 v16, v12  }
0x9b: {  	v29 =	vld [tilespmem:s26+$0x0];
	v13 =	vadd.f32 v21, v13;
	v16 =	vcvt.s32.f32 v19;
	v15 =	vadd.s32 v15, v19  }
0x9c: {  	v62 =	vld [tilespmem:s26+$0x10];
	v61 =	vcvt.s32.f32 v17;
	v14 =	vadd.s32 v14, v17;
	v63 =	vcvt.s32.f32 v24  }
0x9d: {  	v21 =	vld [tilespmem:s26+$0x20];
	v7 =	vadd.s32 v7, v24;
	v11 =	vadd.s32 v11, v27;
	v20 =	vcvt.s32.f32 v23  }
0x9e: {  	v5 =	vadd.s32 v5, v23;
	v19 =	vcvt.s32.f32 v26;
	v16 =	vmul.f32 v16, v22;
	v22 =	vld [tilespmem:s26+$0x30]  }
0x9f: {  	v23 =	vld [tilespmem:s26+$0x40];
	v4 =	vadd.s32 v4, v26;
	v2 =	vadd.s32 v2, v28;
	v17 =	vcvt.s32.f32 v18  }
0xa0: {  	v25 =	vld [tilespmem:s26+$0x50];
	v10 =	vadd.s32 v10, v18;
	v18 =	vcvt.s32.f32 v27;
	v27 =	vmul.f32 v61, v29  }
0xa1: {  	s24 =	simm.s32 $0x80;
	s25 =	simm.s32 $0x400;
	v24 =	vld [tilespmem:s26+$0x60];
	v26 =	vmul.f32 v63, v62;
	v8 =	vadd.f32 v16, v8;
	v16 =	vcvt.s32.f32 v28  }
.LBB2_6:
0xa2: {  	p0 =	sne.s32 s25, $0xFE00;
	v28 =	vld [tilespmem:s24+$0x8070];
	v1 =	vadd.f32 v27, v1;
	v17 =	vmul.f32 v17, v21  }
0xa3: {  	v21 =	vld [tilespmem:s24+$0x8000];
	v3 =	vadd.f32 v26, v3;
	v18 =	vmul.f32 v18, v22  }
0xa4: {  	v22 =	vld [tilespmem:s24+$0x70];
	v9 =	vadd.f32 v17, v9;
	v17 =	vmul.f32 v20, v23  }
0xa5: {  	v20 =	vld [tilespmem:s24+$0x8010];
	v12 =	vadd.f32 v18, v12;
	v18 =	vmul.f32 v19, v25  }
0xa6: {  	v19 =	vld [tilespmem:s24+$0x8020];
	v13 =	vadd.f32 v17, v13;
	v16 =	vmul.f32 v16, v24  }
0xa7: {  	v23 =	vld [tilespmem:s24+$0x8030];
	v17 =	vcvt.s32.f32 v28;
	v15 =	vadd.s32 v15, v28;
	v6 =	vadd.f32 v18, v6  }
0xa8: {  	v24 =	vcvt.s32.f32 v21;
	v14 =	vadd.s32 v14, v21;
	v25 =	vld [tilespmem:s24+$0x8040];
	v0 =	vadd.f32 v16, v0  }
0xa9: {  	v16 =	vld [tilespmem:s24+$0x8050];
	v18 =	vmul.f32 v17, v22  }
0xaa: {  	v26 =	vcvt.s32.f32 v20;
	v7 =	vadd.s32 v7, v20;
	v27 =	vld [tilespmem:s24+$0x8060]  }
0xab: {  	v28 =	vld [tilespmem:s24+$0x0];
	v17 =	vcvt.s32.f32 v19;
	v10 =	vadd.s32 v10, v19;
	v8 =	vadd.f32 v18, v8  }
0xac: {  	v29 =	vld [tilespmem:s24+$0x10];
	v18 =	vcvt.s32.f32 v23;
	v11 =	vadd.s32 v11, v23  }
.Ltmp2:
0xad: {  	v21 =	vld [tilespmem:s24+$0x20];
	v20 =	vcvt.s32.f32 v25;
	v5 =	vadd.s32 v5, v25;
	(pc) =	sbr.rel @p0 .LBB2_6-.Ltmp2, $4  }
0xae: {  	v22 =	vld [tilespmem:s24+$0x30];
	v19 =	vcvt.s32.f32 v16;
	v4 =	vadd.s32 v4, v16  }
0xaf: {  	v23 =	vld [tilespmem:s24+$0x40];
	v16 =	vcvt.s32.f32 v27;
	v2 =	vadd.s32 v2, v27  }
0xb0: {  	v27 =	vmul.f32 v24, v28;
	v25 =	vld [tilespmem:s24+$0x50]  }
0xb1: {  	v26 =	vmul.f32 v26, v29;
	v24 =	vld [tilespmem:s24+$0x60];
	s24 =	sshra.s32 s25, $0x2;
	s25 =	sadd.s32 $0x200, s25  }
0xb2: {  	v28 =	vld [tilespmem:s24+$0x8070]  }
0xb3: {  	v29 =	vld [tilespmem:s24+$0x8000]  }
0xb4: {  	v30 =	vld [tilespmem:s24+$0x70]  }
0xb5: {  	v31 =	vld [tilespmem:s24+$0x8010]  }
0xb6: {  	v32 =	vld [tilespmem:s24+$0x8020]  }
0xb7: {  	v33 =	vld [tilespmem:s24+$0x8030]  }
0xb8: {  	v34 =	vld [tilespmem:s24+$0x8040]  }
0xb9: {  	v35 =	vld [tilespmem:s24+$0x8050]  }
0xba: {  	v36 =	vld [tilespmem:s24+$0x8060]  }
0xbb: {  	v37 =	vld [tilespmem:s24+$0x0]  }
0xbc: {  	v38 =	vld [tilespmem:s24+$0x10]  }
0xbd: {  	v39 =	vld [tilespmem:s24+$0x20]  }
0xbe: {  	v40 =	vld [tilespmem:s24+$0x30]  }
0xbf: {  	v41 =	vld [tilespmem:s24+$0x40]  }
0xc0: {  	v42 =	vld [tilespmem:s24+$0x50]  }
0xc1: {  	v43 =	vld [tilespmem:s24+$0x60];
	v17 =	vmul.f32 v17, v21;
	_ =	swait.ge [sflag:s19], $0x4000  }
0xc2: {  	v1 =	vadd.f32 v27, v1;
	v18 =	vmul.f32 v18, v22;
	[sflag:s19] =	ssyncset.done $0x0;
	v20 =	vmul.f32 v20, v23  }
0xc3: {  	v3 =	vadd.f32 v26, v3;
	v9 =	vadd.f32 v17, v9;
	[sflag:s19] =	ssyncadd.s32 $0xFFFFC000;
	v17 =	vmul.f32 v19, v25  }
0xc4: {  	v12 =	vadd.f32 v18, v12;
	_ =	swait.ge [sflag:s20], $0x4000;
	v18 =	vadd.f32 v20, v13;
	v16 =	vmul.f32 v16, v24  }
0xc5: {  	[sflag:s20] =	ssyncset.done $0x0;
	v13 =	vcvt.s32.f32 v28;
	v19 =	vadd.s32 v15, v28;
	v6 =	vadd.f32 v17, v6  }
0xc6: {  	s26 =	simm.s32 $0x0;
	v17 =	vadd.s32 v14, v29;
	v14 =	vcvt.s32.f32 v29;
	[sflag:s20] =	ssyncadd.s32 $0xFFFFC000;
	v15 =	vcvt.s32.f32 v31  }
0xc7: {  	v7 =	vadd.s32 v7, v31;
	v20 =	vadd.s32 v10, v32;
	v0 =	vadd.f32 v16, v0;
	v16 =	vld [tilespmem:s26+$0xC070]  }
0xc8: {  	v10 =	vcvt.s32.f32 v32;
	v23 =	vadd.s32 v11, v33;
	v5 =	vadd.s32 v5, v34;
	v21 =	vld [tilespmem:s26+$0xC000]  }
0xc9: {  	v26 =	vadd.s32 v4, v35;
	v4 =	vcvt.s32.f32 v35;
	v24 =	vld [tilespmem:s26+$0x4070];
	v13 =	vmul.f32 v13, v30  }
0xca: {  	v28 =	vadd.s32 v2, v36;
	v25 =	vld [tilespmem:s26+$0xC010];
	v11 =	vmul.f32 v14, v37;
	v14 =	vcvt.s32.f32 v34  }
0xcb: {  	v27 =	vld [tilespmem:s26+$0xC020];
	v22 =	vadd.f32 v13, v8;
	v8 =	vcvt.s32.f32 v33;
	v13 =	vmul.f32 v15, v38  }
0xcc: {  	v29 =	vld [tilespmem:s26+$0xC030];
	v2 =	vmul.f32 v10, v39;
	v11 =	vadd.f32 v11, v1;
	v1 =	vcvt.s32.f32 v36  }
0xcd: {  	v57 =	vld [tilespmem:s26+$0xC040];
	v13 =	vadd.f32 v13, v3;
	v3 =	vmul.f32 v8, v40;
	v8 =	vmul.f32 v14, v41  }
0xce: {  	v58 =	vld [tilespmem:s26+$0xC050];
	v14 =	vadd.f32 v2, v9;
	v2 =	vmul.f32 v4, v42;
	v1 =	vmul.f32 v1, v43  }
0xcf: {  	v59 =	vld [tilespmem:s26+$0xC060];
	v61 =	vcvt.s32.f32 v21;
	v15 =	vadd.f32 v3, v12;
	v3 =	vcvt.s32.f32 v16  }
0xd0: {  	v60 =	vld [tilespmem:s26+$0x4000];
	v63 =	vcvt.s32.f32 v25;
	v12 =	vadd.f32 v8, v18;
	v10 =	vadd.f32 v2, v6  }
0xd1: {  	v62 =	vld [tilespmem:s26+$0x4010];
	v8 =	vadd.f32 v1, v0;
	v0 =	vadd.s32 v19, v16;
	v4 =	vmul.f32 v3, v24  }
0xd2: {  	v1 =	vadd.s32 v17, v21;
	v2 =	vadd.s32 v7, v25;
	v16 =	vcvt.s32.f32 v27;
	v21 =	vld [tilespmem:s26+$0x4020]  }
0xd3: {  	v17 =	vcvt.s32.f32 v29;
	v7 =	vadd.s32 v23, v29;
	v9 =	vadd.f32 v4, v22;
	v22 =	vld [tilespmem:s26+$0x4030]  }
0xd4: {  	v19 =	vcvt.s32.f32 v57;
	v23 =	vld [tilespmem:s26+$0x4040];
	v18 =	vcvt.s32.f32 v59;
	v6 =	vadd.s32 v28, v59  }
0xd5: {  	v3 =	vadd.s32 v20, v27;
	v20 =	vcvt.s32.f32 v58;
	v24 =	vld [tilespmem:s26+$0x4050];
	v27 =	vmul.f32 v61, v60  }
0xd6: {  	s24 =	simm.s32 $0x80;
	s25 =	simm.s32 $0x400;
	v25 =	vld [tilespmem:s26+$0x4060];
	v4 =	vadd.s32 v5, v57;
	v5 =	vadd.s32 v26, v58;
	v26 =	vmul.f32 v63, v62  }
.LBB2_8:
0xd7: {  	p0 =	sne.s32 s25, $0xFE00;
	v28 =	vld [tilespmem:s24+$0xC070];
	v11 =	vadd.f32 v27, v11;
	v16 =	vmul.f32 v16, v21  }
0xd8: {  	v21 =	vld [tilespmem:s24+$0xC000];
	v13 =	vadd.f32 v26, v13;
	v17 =	vmul.f32 v17, v22  }
0xd9: {  	v22 =	vld [tilespmem:s24+$0x4070];
	v14 =	vadd.f32 v16, v14;
	v16 =	vmul.f32 v19, v23  }
0xda: {  	v19 =	vld [tilespmem:s24+$0xC010];
	v15 =	vadd.f32 v17, v15;
	v17 =	vmul.f32 v20, v24  }
0xdb: {  	v20 =	vld [tilespmem:s24+$0xC020];
	v12 =	vadd.f32 v16, v12;
	v16 =	vmul.f32 v18, v25  }
0xdc: {  	v18 =	vld [tilespmem:s24+$0xC030];
	v23 =	vcvt.s32.f32 v28;
	v0 =	vadd.s32 v0, v28;
	v10 =	vadd.f32 v17, v10  }
0xdd: {  	v24 =	vcvt.s32.f32 v21;
	v1 =	vadd.s32 v1, v21;
	v25 =	vld [tilespmem:s24+$0xC040];
	v8 =	vadd.f32 v16, v8  }
0xde: {  	v26 =	vld [tilespmem:s24+$0xC050];
	v17 =	vmul.f32 v23, v22  }
0xdf: {  	v28 =	vcvt.s32.f32 v19;
	v2 =	vadd.s32 v2, v19;
	v27 =	vld [tilespmem:s24+$0xC060]  }
0xe0: {  	v29 =	vld [tilespmem:s24+$0x4000];
	v16 =	vcvt.s32.f32 v20;
	v3 =	vadd.s32 v3, v20;
	v9 =	vadd.f32 v17, v9  }
0xe1: {  	v30 =	vld [tilespmem:s24+$0x4010];
	v17 =	vcvt.s32.f32 v18;
	v7 =	vadd.s32 v7, v18  }
.Ltmp3:
0xe2: {  	v21 =	vld [tilespmem:s24+$0x4020];
	v19 =	vcvt.s32.f32 v25;
	v4 =	vadd.s32 v4, v25;
	(pc) =	sbr.rel @p0 .LBB2_8-.Ltmp3, $4  }
0xe3: {  	v22 =	vld [tilespmem:s24+$0x4030];
	v20 =	vcvt.s32.f32 v26;
	v5 =	vadd.s32 v5, v26  }
0xe4: {  	v23 =	vld [tilespmem:s24+$0x4040];
	v18 =	vcvt.s32.f32 v27;
	v6 =	vadd.s32 v6, v27  }
0xe5: {  	v27 =	vmul.f32 v24, v29;
	v24 =	vld [tilespmem:s24+$0x4050]  }
0xe6: {  	v26 =	vmul.f32 v28, v30;
	v25 =	vld [tilespmem:s24+$0x4060];
	s24 =	sshra.s32 s25, $0x2;
	s25 =	sadd.s32 $0x200, s25  }
0xe7: {  	v28 =	vld [tilespmem:s24+$0xC070]  }
0xe8: {  	v29 =	vld [tilespmem:s24+$0xC000]  }
0xe9: {  	v30 =	vld [tilespmem:s24+$0xC010]  }
0xea: {  	v31 =	vld [tilespmem:s24+$0xC020]  }
0xeb: {  	v32 =	vld [tilespmem:s24+$0xC030]  }
0xec: {  	v33 =	vld [tilespmem:s24+$0xC040]  }
0xed: {  	v34 =	vld [tilespmem:s24+$0xC050]  }
0xee: {  	v35 =	vld [tilespmem:s24+$0xC060]  }
0xef: {  	v36 =	vld [tilespmem:s24+$0x4000]  }
0xf0: {  	v11 =	vadd.f32 v27, v11;
	v16 =	vmul.f32 v16, v21;
	v37 =	vld [tilespmem:s24+$0x4010]  }
0xf1: {  	v38 =	vld [tilespmem:s24+$0x4020];
	v13 =	vadd.f32 v26, v13;
	v17 =	vmul.f32 v17, v22;
	v19 =	vmul.f32 v19, v23  }
0xf2: {  	v41 =	vld [tilespmem:s24+$0x4030];
	v14 =	vadd.f32 v16, v14;
	v39 =	vmul.f32 v20, v24;
	v40 =	vcvt.s32.f32 v29  }
0xf3: {  	v44 =	vld [tilespmem:s24+$0x4040];
	v15 =	vadd.f32 v17, v15;
	v42 =	vmul.f32 v18, v25;
	v43 =	vcvt.s32.f32 v30  }
0xf4: {  	v46 =	vld [tilespmem:s24+$0x4050];
	v12 =	vadd.f32 v19, v12;
	v45 =	vcvt.s32.f32 v31;
	v20 =	vmul.f32 v40, v36  }
0xf5: {  	v48 =	vld [tilespmem:s24+$0x4060];
	v10 =	vadd.f32 v39, v10;
	v47 =	vcvt.s32.f32 v32;
	v18 =	vmul.f32 v43, v37  }
0xf6: {  	v49 =	vld [tilespmem:s24+$0x4070];
	v50 =	vcvt.s32.f32 v33;
	v19 =	vmul.f32 v45, v38;
	v11 =	vadd.f32 v20, v11  }
0xf7: {  	v51 =	vcvt.s32.f32 v34;
	v16 =	vmul.f32 v47, v41;
	v13 =	vadd.f32 v18, v13  }
0xf8: {  	v53 =	vcvt.s32.f32 v35;
	v52 =	vmul.f32 v50, v44;
	v14 =	vadd.f32 v19, v14;
	[tilespmem:$0x10000] =	vst v11  }
0xf9: {  	v55 =	vcvt.s32.f32 v28;
	v54 =	vmul.f32 v51, v46;
	v15 =	vadd.f32 v16, v15;
	[tilespmem:$0x10010] =	vst v13  }
0xfa: {  	v8 =	vadd.f32 v42, v8;
	v12 =	vadd.f32 v52, v12;
	v11 =	vmul.f32 v53, v48;
	[tilespmem:$0x10020] =	vst v14  }
0xfb: {  	v10 =	vadd.f32 v54, v10;
	v13 =	vmul.f32 v55, v49;
	[tilespmem:$0x10030] =	vst v15  }
0xfc: {  	[tilespmem:$0x10040] =	vst v12;
	v8 =	vadd.f32 v11, v8  }
0xfd: {  	[tilespmem:$0x10050] =	vst v10;
	v9 =	vadd.f32 v13, v9  }
0xfe: {  	[tilespmem:$0x10060] =	vst v8  }
0xff: {  	[tilespmem:$0x10070] =	vst v9  }
0x100: {  	[hbm4b:s11+s2] =	stream.linear.scatter [tilespmem:s21], [sflag:$0x5], $0x80, $0x38;
	[tilespmem:$0x10080] =	vst v63  }
0x101: {  	v1 =	vadd.s32 v1, v29;
	_ =	swait.ge [sflag:s22], $0x80  }
0x102: {  	v2 =	vadd.s32 v2, v30;
	v1 =	vcvt.s32.f32 v1;
	[sflag:s22] =	ssyncset.done $0x0  }
0x103: {  	v3 =	vadd.s32 v3, v31;
	v2 =	vcvt.s32.f32 v2;
	[sflag:s22] =	ssyncadd.s32 $0xFFFFFF80  }
0x104: {  	v7 =	vadd.s32 v7, v32;
	v56 =	vcvt.s32.f32 v3;
	[tilespmem:$0x10000] =	vst v1  }
0x105: {  	v57 =	vadd.s32 v4, v33;
	v58 =	vcvt.s32.f32 v7;
	[tilespmem:$0x10010] =	vst v2  }
0x106: {  	v59 =	vadd.s32 v5, v34;
	v60 =	vcvt.s32.f32 v57;
	[tilespmem:$0x10020] =	vst v56  }
0x107: {  	v61 =	vadd.s32 v6, v35;
	v62 =	vcvt.s32.f32 v59;
	[tilespmem:$0x10030] =	vst v58  }
0x108: {  	v0 =	vadd.s32 v0, v28;
	v63 =	vcvt.s32.f32 v61;
	[tilespmem:$0x10040] =	vst v60  }
0x109: {  	s23 =	sadd.s32 $0x1, s23;
	v0 =	vcvt.s32.f32 v0;
	[tilespmem:$0x10050] =	vst v62  }
0x10a: {  	p0 =	sne.s32 s23, s13;
	[tilespmem:$0x10060] =	vst v63  }
.Ltmp4:
0x10b: {  	[tilespmem:$0x10070] =	vst v0;
	(pc) =	sbr.rel @p0 .LBB2_1-.Ltmp4, $4  }
0x10c: {  	[hbm4b:s12+s2] =	stream.linear.scatter [tilespmem:s21], [sflag:$0x5], $0x80, $0x38;
	[tilespmem:$0x10080] =	vst v63  }
0x10d: {  	_ =	swait.ge [sflag:s22], $0x80  }
0x10e: {  	[sflag:s22] =	ssyncset.done $0x0  }
0x10f: {  	[sflag:s22] =	ssyncadd.s32 $0xFFFFFF80  }
0x110: {  	_ =	sfence.sel $0x180000  }
0x111: {  	[bflag:$0x0] =	sbarrier.arrive $0xFFFF  }
0x112: {  	p0 =	sne.s32 s1, $0x0;
	_ =	strace $0x90000047  }
0x113: {  	s0 =	sadd.s32 @!p0 $0x100000, s0;
	[bflag:$0x2] =	sbarrier.arrive $0xFFFF  }
0x114: {  	[sflag:s0] =	ssyncadd.tile.s32 @!p0 $0x1;
	_ =	shalt  }
.Lfunc_end2:
_tile_overlayer_lowered:
.L_overlay_start_2:
0x115: {  	(tag) =	ssettag $0x2  }
0x116: {  	s0 =	rddreg [dreg:$0x0];
	s2 =	stileid.u32  }
0x117: {  	s1 =	rddreg [dreg:$0x1];
	p0 =	sne.s32 s2, $0x0  }
0x118: {  	s3 =	rddreg [dreg:$0x2];
	[bflag:$0x3] =	sbarrier.arrive $0xFFFF;
	s2 =	simm.s32 @!p0 $0x1C05  }
0x119: {  	[timem:s3], [sflag:s2] =	dma.local @!p0 [hbm:s0], s1  }
0x11a: {  	s0 =	simm.s32 @!p0 $0x5  }
0x11b: {  	_ =	swait.ge @!p0 [sflag:s0], s1  }
0x11c: {  	s1 =	ssub.s32 @!p0 $0x0, s1;
	[sflag:s0] =	ssyncset.done @!p0 $0x0  }
0x11d: {  	[sflag:s0] =	ssyncadd.s32 @!p0 s1  }
0x11e: {  	[bflag:$0x3] =	sbarrier.arrive $0xFFFF  }
0x11f: {  	_ =	shalt  }

</sc_bundles>
